<compile_context>
chip_gen: v7x
topology: tpu7x:2x2x1
jax: 0.10.2.dev20260603
libtpu: 0.0.44.dev20260713+nightly
codegen_flags: <defaults>
</compile_context>

<pallas_src>
import jax
import jax.numpy as jnp
from jax import lax
from jax.experimental import pallas as pl
from jax.experimental.pallas import tpu as pltpu
from jax.experimental.pallas import tpu_sc as plsc

N = 10000
E = 320000
DIN = 128
DH = 64
DC = 40
DEGW = 8
LW = 128

NC, NS = 2, 16
NW = NC * NS
CH = 125
NITER = 80
NP = 10240
RPT = NP // NS
HALF = NITER // 2

_SC_MESH = plsc.VectorSubcoreMesh(core_axis_name="c", subcore_axis_name="s")
_SC_PARAMS = pltpu.CompilerParams(use_tc_tiling_on_sc=False)


def _sc_agg_body(D, esrc3, edst3, table, zeros, out,
                 src_all, dst_all, rows_a, rows_b, tbl, acc, sem_a, sem_b):
    cid = lax.axis_index("c")
    sid = lax.axis_index("s")
    wid = cid * NS + sid
    pltpu.sync_copy(zeros.at[pl.ds(sid * RPT, RPT)],
                    acc.at[pl.ds(sid * RPT, RPT)])
    pltpu.sync_copy(table.at[pl.ds(sid * RPT, RPT), pl.ds(0, D)],
                    tbl.at[pl.ds(sid * RPT, RPT)])
    pltpu.sync_copy(esrc3.at[wid], src_all)
    pltpu.sync_copy(edst3.at[wid], dst_all)
    plsc.subcore_barrier()

    def fire(i, rows, sem):
        pltpu.async_copy(tbl.at[src_all.at[i]], rows, sem)

    def wait(rows, sem):
        pltpu.make_async_copy(tbl.at[src_all.at[0]], rows, sem).wait()

    def scat(i, rows):
        pltpu.sync_copy(rows, acc.at[dst_all.at[i]], add=True)

    fire(0, rows_a, sem_a)

    @pl.loop(0, HALF - 1)
    def _(j):
        i = 2 * j
        fire(i + 1, rows_b, sem_b)
        wait(rows_a, sem_a)
        scat(i, rows_a)
        fire(i + 2, rows_a, sem_a)
        wait(rows_b, sem_b)
        scat(i + 1, rows_b)

    fire(NITER - 1, rows_b, sem_b)
    wait(rows_a, sem_a)
    scat(NITER - 2, rows_a)
    wait(rows_b, sem_b)
    scat(NITER - 1, rows_b)

    plsc.subcore_barrier()
    pltpu.sync_copy(acc.at[pl.ds(sid * RPT, RPT)],
                    out.at[pl.ds(sid * RPT, RPT), pl.ds(cid * DH, D)])


def _make_sc_agg(D):
    import functools
    return pl.kernel(
        functools.partial(_sc_agg_body, D),
        out_type=jax.ShapeDtypeStruct((NP, LW), jnp.float32),
        mesh=_SC_MESH,
        compiler_params=_SC_PARAMS,
        scratch_types=[
            pltpu.VMEM((NITER, CH), jnp.int32),
            pltpu.VMEM((NITER, CH), jnp.int32),
            pltpu.VMEM((CH, D), jnp.float32),
            pltpu.VMEM((CH, D), jnp.float32),
            pltpu.VMEM_SHARED((NP, D), jnp.float32),
            pltpu.VMEM_SHARED((NP, D), jnp.float32),
            pltpu.SemaphoreType.DMA,
            pltpu.SemaphoreType.DMA,
        ],
        name=f"sc_gcn_agg_{D}",
    )


def _sc_deg_body(edst3, ones, zeros, out, dst_all, ones_v, acc, sem):
    cid = lax.axis_index("c")
    sid = lax.axis_index("s")
    wid = cid * NS + sid
    pltpu.sync_copy(zeros.at[pl.ds(sid * RPT, RPT)],
                    acc.at[pl.ds(sid * RPT, RPT)])
    pltpu.sync_copy(edst3.at[wid], dst_all)
    pltpu.sync_copy(ones, ones_v)
    plsc.subcore_barrier()

    @pl.loop(0, NITER)
    def _(i):
        pltpu.async_copy(ones_v, acc.at[dst_all.at[i]], sem, add=True)

    @pl.loop(0, NITER)
    def _(i):
        pltpu.make_async_copy(ones_v, acc.at[dst_all.at[0]], sem).wait()

    plsc.subcore_barrier()
    pltpu.sync_copy(acc.at[pl.ds(sid * RPT, RPT)],
                    out.at[pl.ds(sid * RPT, RPT), pl.ds(cid * DH, DEGW)])


_sc_deg = pl.kernel(
    _sc_deg_body,
    out_type=jax.ShapeDtypeStruct((NP, LW), jnp.float32),
    mesh=_SC_MESH,
    compiler_params=_SC_PARAMS,
    scratch_types=[
        pltpu.VMEM((NITER, CH), jnp.int32),
        pltpu.VMEM((CH, DEGW), jnp.float32),
        pltpu.VMEM_SHARED((NP, DEGW), jnp.float32),
        pltpu.SemaphoreType.DMA,
    ],
    name="sc_gcn_deg",
)

_sc_agg64 = _make_sc_agg(DH)
_sc_agg40 = _make_sc_agg(DC)


RB = 1024
GRID = NP // RB


def _tc0_body(x_ref, w1_ref, xw_ref):
    xw_ref[...] = jnp.dot(
        x_ref[...], w1_ref[...], preferred_element_type=jnp.float32)


def _tc1_body(xw_ref, degp_ref, dis_ref, xws1_ref):
    deg = degp_ref[:, 0:1] + degp_ref[:, DH:DH + 1] + 1.0
    dis = 1.0 / jnp.sqrt(deg)
    dis_ref[...] = dis
    xws1_ref[...] = jnp.concatenate(
        [xw_ref[...] * dis, jnp.zeros((RB, LW - DH), jnp.float32)], axis=1)


def _tc2_body(xws1_ref, p_ref, dis_ref, b1_ref, w2_ref, xws2_ref):
    dis = dis_ref[...]
    p = p_ref[...]
    h = dis * (p[:, :DH] + p[:, DH:] + xws1_ref[:, :DH]) + b1_ref[...]
    h = jnp.maximum(h, 0.0)
    xws2_ref[...] = jnp.dot(
        h, w2_ref[...], preferred_element_type=jnp.float32) * dis


def _tc3_body(xws2_ref, p_ref, dis_ref, b2_ref, out_ref):
    p = p_ref[...]
    o = dis_ref[...] * (p[:, :DC] + p[:, DH:DH + DC] + xws2_ref[:, :DC])
    o = o + b2_ref[...]
    m = jnp.max(o, axis=1, keepdims=True)
    s = jnp.sum(jnp.exp(o - m), axis=1, keepdims=True)
    out_ref[...] = o - m - jnp.log(s)


def _row_spec(d):
    return pl.BlockSpec((RB, d), lambda i: (i, 0))


def _full_spec(shape):
    nd = len(shape)
    return pl.BlockSpec(shape, lambda i: (0,) * nd)


_tc0 = pl.pallas_call(
    _tc0_body,
    grid=(GRID,),
    in_specs=[_row_spec(DIN), _full_spec((DIN, DH))],
    out_specs=_row_spec(DH),
    out_shape=jax.ShapeDtypeStruct((NP, DH), jnp.float32),
)

_tc1 = pl.pallas_call(
    _tc1_body,
    grid=(GRID,),
    in_specs=[_row_spec(DH), _row_spec(LW)],
    out_specs=[_row_spec(1), _row_spec(LW)],
    out_shape=[jax.ShapeDtypeStruct((NP, 1), jnp.float32),
               jax.ShapeDtypeStruct((NP, LW), jnp.float32)],
)

_tc2 = pl.pallas_call(
    _tc2_body,
    grid=(GRID,),
    in_specs=[_row_spec(LW), _row_spec(LW),
              _row_spec(1), _full_spec((1, DH)), _full_spec((DH, LW))],
    out_specs=_row_spec(LW),
    out_shape=jax.ShapeDtypeStruct((NP, LW), jnp.float32),
)

_tc3 = pl.pallas_call(
    _tc3_body,
    grid=(GRID,),
    in_specs=[_row_spec(LW), _row_spec(LW),
              _row_spec(1), _full_spec((1, DC))],
    out_specs=pl.BlockSpec((RB, DC), lambda i: (i, 0)),
    out_shape=jax.ShapeDtypeStruct((N, DC), jnp.float32),
)


def kernel(x, edge_index, W1, b1, W2, b2):
    ei = edge_index.astype(jnp.int32)
    esrc3 = ei[0].reshape(NW, NITER, CH)
    edst3 = ei[1].reshape(NW, NITER, CH)
    zeros64 = jnp.zeros((NP, DH), jnp.float32)
    zeros40 = jnp.zeros((NP, DC), jnp.float32)
    zeros_d = jnp.zeros((NP, DEGW), jnp.float32)
    ones_d = jnp.ones((CH, DEGW), jnp.float32)
    w2p = jnp.pad(W2, ((0, 0), (0, LW - DC)))
    b2r = b2.reshape(1, DC)
    b1r = b1.reshape(1, DH)

    degp = _sc_deg(edst3, ones_d, zeros_d)
    xw1 = _tc0(x, W1)
    dis, xws1 = _tc1(xw1, degp)
    p1 = _sc_agg64(esrc3, edst3, xws1, zeros64)
    xws2 = _tc2(xws1, p1, dis, b1r, w2p)
    p2 = _sc_agg40(esrc3, edst3, xws2, zeros40)
    return _tc3(xws2, p2, dis, b2r)

# --- scband reference (transcript-rebuilt; emitter-appended) ---
"""Pipeline reference for scband-net-52037823758875 (READ-ONLY COPY).

The authoritative reference and input builder live on the scoring server;
editing this copy changes nothing except your own understanding.
"""

import jax, jax.numpy as jnp
import numpy as np

N_NODES = 10000
N_EDGES = 320000
D_IN = 128
D_HID = 64
N_CLASSES = 40


def setup_inputs(seed: int = 0) -> dict:
    key = jax.random.key(seed)
    k1, k2, k3, k4, k5, k6 = jax.random.split(key, 6)
    x = jax.random.normal(k1, (N_NODES, D_IN), dtype=jnp.float32)
    edge_index = jax.random.randint(k2, (2, N_EDGES), 0, N_NODES, dtype=jnp.int64)
    # Glorot-init GCN weights (as in torch_geometric GCNConv)
    lim1 = float(np.sqrt(6.0 / (D_IN + D_HID)))
    W1 = jax.random.uniform(k3, (D_IN, D_HID), minval=-lim1, maxval=lim1, dtype=jnp.float32)
    b1 = jnp.zeros((D_HID,), dtype=jnp.float32)
    lim2 = float(np.sqrt(6.0 / (D_HID + N_CLASSES)))
    W2 = jax.random.uniform(k4, (D_HID, N_CLASSES), minval=-lim2, maxval=lim2, dtype=jnp.float32)
    b2 = jnp.zeros((N_CLASSES,), dtype=jnp.float32)
    return {"x": x, "edge_index": edge_index, "W1": W1, "b1": b1, "W2": W2, "b2": b2}


def gcn_conv(x, edge_index, W, b):
    # Faithful GCNConv: add self-loops, symmetric D^{-1/2}(A+I)D^{-1/2} normalization,
    # linear transform, scatter-add aggregation, bias.
    N = x.shape[0]
    loop = jnp.arange(N, dtype=edge_index.dtype)
    src = jnp.concatenate([edge_index[0], loop])
    dst = jnp.concatenate([edge_index[1], loop])
    deg = jnp.zeros((N,), dtype=x.dtype).at[dst].add(1.0)
    deg_inv_sqrt = jnp.where(deg > 0, 1.0 / jnp.sqrt(deg), 0.0)
    norm = deg_inv_sqrt[src] * deg_inv_sqrt[dst]
    xw = x @ W
    msg = xw[src] * norm[:, None]
    out = jnp.zeros((N, W.shape[1]), dtype=x.dtype).at[dst].add(msg)
    return out + b


def reference(x, edge_index, W1, b1, W2, b2):
    h = gcn_conv(x, edge_index, W1, b1)
    h = jax.nn.relu(h)
    # F.dropout(training=self.training): identity in eval mode
    out = gcn_conv(h, edge_index, W2, b2)
    return jax.nn.log_softmax(out, axis=1)

if __name__ == "__main__":
    import jax
    _d = setup_inputs()
    print(jax.jit(kernel)(*tuple(_d.values())))

</pallas_src>

<mosaic_0001>
#map = affine_map<(d0, d1) -> (0, 0, 0)>
#map1 = affine_map<(d0, d1) -> (0, 0)>
module attributes {stable_mosaic.version = 14 : i64} {
  func.func @sc_gcn_deg(%arg0: i32, %arg1: i32, %arg2: memref<32x80x125xi32, #tpu.memory_space<hbm>>, %arg3: memref<125x8xf32, #tpu.memory_space<hbm>>, %arg4: memref<10240x8xf32, #tpu.memory_space<hbm>>, %arg5: memref<10240x128xf32, #tpu.memory_space<hbm>>, %arg6: memref<80x125xi32, #tpu.memory_space<vmem>>, %arg7: memref<125x8xf32, #tpu.memory_space<vmem>>, %arg8: memref<10240x8xf32, #tpu.memory_space<vmem_shared>>, %arg9: memref<!tpu.dma_semaphore, #tpu.memory_space<semaphore_mem>>) attributes {dimension_semantics = [#tpu.dimension_semantics<core_parallel>, #tpu.dimension_semantics<subcore_parallel>], iteration_bounds = array<i64: 2, 16>, scalar_prefetch = 0 : i64, scratch_operands = 4 : i64, tpu.core_type = #tpu.core_type<sc_vector_subcore>, window_params = [{transform_indices = #map}, {transform_indices = #map1}, {transform_indices = #map1}, {transform_indices = #map1}]} {
    %mul3A = arith.constant 16 : i32
    %mul3A_0 = arith.muli %arg0, %mul3A : i32
    %add3A = arith.addi %mul3A_0, %arg1 : i32
    %mul3A_1 = arith.constant 640 : i32
    %mul3A_2 = arith.muli %arg1, %mul3A_1 : i32
    %mul3A_3 = arith.constant 640 : i32
    %mul3A_4 = arith.muli %arg1, %mul3A_3 : i32
    "tpu.region"() ({
      %run_scoped3A = tpu.sem_alloc : memref<!tpu.dma_semaphore, #tpu.memory_space<semaphore_mem>>
      %dma_start3A = arith.constant 0 : i32
      %dma_start3A_21 = tpu.memref_slice %arg8[%mul3A_4, %dma_start3A] : memref<10240x8xf32, #tpu.memory_space<vmem_shared>> -> memref<640x8xf32, #tpu.memory_space<vmem_shared>>
      %dma_start3A_22 = arith.constant 0 : i32
      %dma_start3A_23 = tpu.memref_slice %arg4[%mul3A_2, %dma_start3A_22] : memref<10240x8xf32, #tpu.memory_space<hbm>> -> memref<640x8xf32, #tpu.memory_space<hbm>>
      tpu.enqueue_dma source(%dma_start3A_23 : memref<640x8xf32, #tpu.memory_space<hbm>>) target(%dma_start3A_21 : memref<640x8xf32, #tpu.memory_space<vmem_shared>>) target_semaphore(%run_scoped3A : memref<!tpu.dma_semaphore, #tpu.memory_space<semaphore_mem>>)
      %dma_wait3A = arith.constant 0 : i32
      %dma_wait3A_24 = tpu.memref_slice %arg8[%mul3A_4, %dma_wait3A] : memref<10240x8xf32, #tpu.memory_space<vmem_shared>> -> memref<640x8xf32, #tpu.memory_space<vmem_shared>>
      %dma_wait3A_25 = arith.constant 0 : i32
      %dma_wait3A_26 = tpu.memref_slice %arg4[%mul3A_2, %dma_wait3A_25] : memref<10240x8xf32, #tpu.memory_space<hbm>> -> memref<640x8xf32, #tpu.memory_space<hbm>>
      tpu.wait_dma2 semaphore(%run_scoped3A : memref<!tpu.dma_semaphore, #tpu.memory_space<semaphore_mem>>) src(%dma_wait3A_26 : memref<640x8xf32, #tpu.memory_space<hbm>>) dst(%dma_wait3A_24 : memref<640x8xf32, #tpu.memory_space<vmem_shared>>)
      tpu.yield
    }) : () -> ()
    "tpu.region"() ({
      %run_scoped3A = tpu.sem_alloc : memref<!tpu.dma_semaphore, #tpu.memory_space<semaphore_mem>>
      %dma_start3A = arith.constant 0 : i32
      %dma_start3A_21 = arith.constant 0 : i32
      %dma_start3A_22 = tpu.memref_slice %arg2[%add3A, %dma_start3A, %dma_start3A_21] : memref<32x80x125xi32, #tpu.memory_space<hbm>> -> memref<1x80x125xi32, #tpu.memory_space<hbm>>
      %dma_start3A_23 = tpu.memref_squeeze %dma_start3A_22 : memref<1x80x125xi32, #tpu.memory_space<hbm>> -> memref<80x125xi32, #tpu.memory_space<hbm>>
      %dma_start3A_24 = arith.constant 0 : i32
      %dma_start3A_25 = arith.constant 0 : i32
      %dma_start3A_26 = tpu.memref_slice %arg2[%add3A, %dma_start3A_24, %dma_start3A_25] : memref<32x80x125xi32, #tpu.memory_space<hbm>> -> memref<1x80x125xi32, #tpu.memory_space<hbm>>
      %dma_start3A_27 = tpu.memref_squeeze %dma_start3A_26 : memref<1x80x125xi32, #tpu.memory_space<hbm>> -> memref<80x125xi32, #tpu.memory_space<hbm>>
      tpu.enqueue_dma source(%dma_start3A_27 : memref<80x125xi32, #tpu.memory_space<hbm>>) target(%arg6 : memref<80x125xi32, #tpu.memory_space<vmem>>) target_semaphore(%run_scoped3A : memref<!tpu.dma_semaphore, #tpu.memory_space<semaphore_mem>>)
      %dma_wait3A = arith.constant 0 : i32
      %dma_wait3A_28 = arith.constant 0 : i32
      %dma_wait3A_29 = tpu.memref_slice %arg2[%add3A, %dma_wait3A, %dma_wait3A_28] : memref<32x80x125xi32, #tpu.memory_space<hbm>> -> memref<1x80x125xi32, #tpu.memory_space<hbm>>
      %dma_wait3A_30 = tpu.memref_squeeze %dma_wait3A_29 : memref<1x80x125xi32, #tpu.memory_space<hbm>> -> memref<80x125xi32, #tpu.memory_space<hbm>>
      %dma_wait3A_31 = arith.constant 0 : i32
      %dma_wait3A_32 = arith.constant 0 : i32
      %dma_wait3A_33 = tpu.memref_slice %arg2[%add3A, %dma_wait3A_31, %dma_wait3A_32] : memref<32x80x125xi32, #tpu.memory_space<hbm>> -> memref<1x80x125xi32, #tpu.memory_space<hbm>>
      %dma_wait3A_34 = tpu.memref_squeeze %dma_wait3A_33 : memref<1x80x125xi32, #tpu.memory_space<hbm>> -> memref<80x125xi32, #tpu.memory_space<hbm>>
      tpu.wait_dma2 semaphore(%run_scoped3A : memref<!tpu.dma_semaphore, #tpu.memory_space<semaphore_mem>>) src(%dma_wait3A_34 : memref<80x125xi32, #tpu.memory_space<hbm>>) dst(%arg6 : memref<80x125xi32, #tpu.memory_space<vmem>>)
      tpu.yield
    }) : () -> ()
    "tpu.region"() ({
      %run_scoped3A = tpu.sem_alloc : memref<!tpu.dma_semaphore, #tpu.memory_space<semaphore_mem>>
      tpu.enqueue_dma source(%arg3 : memref<125x8xf32, #tpu.memory_space<hbm>>) target(%arg7 : memref<125x8xf32, #tpu.memory_space<vmem>>) target_semaphore(%run_scoped3A : memref<!tpu.dma_semaphore, #tpu.memory_space<semaphore_mem>>)
      tpu.wait_dma2 semaphore(%run_scoped3A : memref<!tpu.dma_semaphore, #tpu.memory_space<semaphore_mem>>) src(%arg3 : memref<125x8xf32, #tpu.memory_space<hbm>>) dst(%arg7 : memref<125x8xf32, #tpu.memory_space<vmem>>)
      tpu.yield
    }) : () -> ()
    %barrier3A = arith.constant 0 : index
    tpu.barrier barrier_id(%barrier3A)
    %scan3A = arith.constant 0 : i32
    %scan3A_5 = arith.constant 80 : i32
    %scan3A_6 = arith.addi %scan3A, %scan3A_5 : i32
    %scan3A_7 = arith.constant 1 : i32
    scf.for %scan3A_21 = %scan3A to %scan3A_6 step %scan3A_7  : i32 {
      %mul3A_22 = arith.constant 1 : i32
      %mul3A_23 = arith.muli %scan3A_21, %mul3A_22 : i32
      %add3A_24 = arith.constant 0 : i32
      %add3A_25 = arith.addi %add3A_24, %mul3A_23 : i32
      %dma_start3A = arith.constant 0 : i32
      %dma_start3A_26 = tpu.memref_slice %arg6[%add3A_25, %dma_start3A] : memref<80x125xi32, #tpu.memory_space<vmem>> -> memref<1x125xi32, #tpu.memory_space<vmem>>
      %dma_start3A_27 = tpu.memref_squeeze %dma_start3A_26 : memref<1x125xi32, #tpu.memory_space<vmem>> -> memref<125xi32, #tpu.memory_space<vmem>>
      %dma_start3A_28 = arith.constant 0 : i32
      %dma_start3A_29 = arith.constant 0 : i32
      %dma_start3A_30 = tpu.memref_slice %arg8[%dma_start3A_28, %dma_start3A_29] : memref<10240x8xf32, #tpu.memory_space<vmem_shared>> -> memref<10240x8xf32, #tpu.memory_space<vmem_shared>>
      tpu.enqueue_indirect_dma source(%arg7 : memref<125x8xf32, #tpu.memory_space<vmem>>) target(%dma_start3A_30 : memref<10240x8xf32, #tpu.memory_space<vmem_shared>>) offsets(%dma_start3A_27 : memref<125xi32, #tpu.memory_space<vmem>>) semaphore(%arg9 : memref<!tpu.dma_semaphore, #tpu.memory_space<semaphore_mem>>) {add = true}
    }
    %scan3A_8 = arith.constant 80 : i32
    %scan3A_9 = arith.constant 0 : i32
    %scan3A_10 = arith.constant 80 : i32
    %scan3A_11 = arith.addi %scan3A_9, %scan3A_10 : i32
    %scan3A_12 = arith.constant 1 : i32
    scf.for %scan3A_21 = %scan3A_9 to %scan3A_11 step %scan3A_12  : i32 {
      %mul3A_22 = arith.constant 1 : i32
      %mul3A_23 = arith.muli %scan3A_21, %mul3A_22 : i32
      %add3A_24 = arith.constant 0 : i32
      %add3A_25 = arith.addi %add3A_24, %mul3A_23 : i32
      %dma_wait3A = arith.constant 0 : i32
      %dma_wait3A_26 = arith.constant 0 : i32
      %dma_wait3A_27 = tpu.memref_slice %arg6[%dma_wait3A, %dma_wait3A_26] : memref<80x125xi32, #tpu.memory_space<vmem>> -> memref<1x125xi32, #tpu.memory_space<vmem>>
      %dma_wait3A_28 = tpu.memref_squeeze %dma_wait3A_27 : memref<1x125xi32, #tpu.memory_space<vmem>> -> memref<125xi32, #tpu.memory_space<vmem>>
      %dma_wait3A_29 = arith.constant 0 : i32
      %dma_wait3A_30 = arith.constant 0 : i32
      %dma_wait3A_31 = tpu.memref_slice %arg8[%dma_wait3A_29, %dma_wait3A_30] : memref<10240x8xf32, #tpu.memory_space<vmem_shared>> -> memref<10240x8xf32, #tpu.memory_space<vmem_shared>>
      tpu.wait_indirect_dma semaphore(%arg9 : memref<!tpu.dma_semaphore, #tpu.memory_space<semaphore_mem>>) src(%arg7 : memref<125x8xf32, #tpu.memory_space<vmem>>) dst(%dma_wait3A_31 : memref<10240x8xf32, #tpu.memory_space<vmem_shared>>)
    }
    %scan3A_13 = arith.constant 80 : i32
    %barrier3A_14 = arith.constant 0 : index
    tpu.barrier barrier_id(%barrier3A_14)
    %mul3A_15 = arith.constant 640 : i32
    %mul3A_16 = arith.muli %arg1, %mul3A_15 : i32
    %mul3A_17 = arith.constant 640 : i32
    %mul3A_18 = arith.muli %arg1, %mul3A_17 : i32
    %mul3A_19 = arith.constant 64 : i32
    %mul3A_20 = arith.muli %arg0, %mul3A_19 : i32
    "tpu.region"() ({
      %run_scoped3A = tpu.sem_alloc : memref<!tpu.dma_semaphore, #tpu.memory_space<semaphore_mem>>
      %dma_start3A = tpu.memref_slice %arg5[%mul3A_18, %mul3A_20] : memref<10240x128xf32, #tpu.memory_space<hbm>> -> memref<640x8xf32, #tpu.memory_space<hbm>>
      %dma_start3A_21 = arith.constant 0 : i32
      %dma_start3A_22 = tpu.memref_slice %arg8[%mul3A_16, %dma_start3A_21] : memref<10240x8xf32, #tpu.memory_space<vmem_shared>> -> memref<640x8xf32, #tpu.memory_space<vmem_shared>>
      tpu.enqueue_dma source(%dma_start3A_22 : memref<640x8xf32, #tpu.memory_space<vmem_shared>>) target(%dma_start3A : memref<640x8xf32, #tpu.memory_space<hbm>>) target_semaphore(%run_scoped3A : memref<!tpu.dma_semaphore, #tpu.memory_space<semaphore_mem>>)
      %dma_wait3A = tpu.memref_slice %arg5[%mul3A_18, %mul3A_20] : memref<10240x128xf32, #tpu.memory_space<hbm>> -> memref<640x8xf32, #tpu.memory_space<hbm>>
      %dma_wait3A_23 = arith.constant 0 : i32
      %dma_wait3A_24 = tpu.memref_slice %arg8[%mul3A_16, %dma_wait3A_23] : memref<10240x8xf32, #tpu.memory_space<vmem_shared>> -> memref<640x8xf32, #tpu.memory_space<vmem_shared>>
      tpu.wait_dma2 semaphore(%run_scoped3A : memref<!tpu.dma_semaphore, #tpu.memory_space<semaphore_mem>>) src(%dma_wait3A_24 : memref<640x8xf32, #tpu.memory_space<vmem_shared>>) dst(%dma_wait3A : memref<640x8xf32, #tpu.memory_space<hbm>>)
      tpu.yield
    }) : () -> ()
    return
  }
}

#map = affine_map<(d0, d1) -> (0, 0, 0)>
#map1 = affine_map<(d0, d1) -> (0, 0)>
module attributes {stable_mosaic.version = 14 : i64} {
  func.func @sc_gcn_agg_40(%arg0: i32, %arg1: i32, %arg2: memref<32x80x125xi32, #tpu.memory_space<hbm>>, %arg3: memref<32x80x125xi32, #tpu.memory_space<hbm>>, %arg4: memref<10240x128xf32, #tpu.memory_space<hbm>>, %arg5: memref<10240x40xf32, #tpu.memory_space<hbm>>, %arg6: memref<10240x128xf32, #tpu.memory_space<hbm>>, %arg7: memref<80x125xi32, #tpu.memory_space<vmem>>, %arg8: memref<80x125xi32, #tpu.memory_space<vmem>>, %arg9: memref<125x40xf32, #tpu.memory_space<vmem>>, %arg10: memref<125x40xf32, #tpu.memory_space<vmem>>, %arg11: memref<10240x40xf32, #tpu.memory_space<vmem_shared>>, %arg12: memref<10240x40xf32, #tpu.memory_space<vmem_shared>>, %arg13: memref<!tpu.dma_semaphore, #tpu.memory_space<semaphore_mem>>, %arg14: memref<!tpu.dma_semaphore, #tpu.memory_space<semaphore_mem>>) attributes {dimension_semantics = [#tpu.dimension_semantics<core_parallel>, #tpu.dimension_semantics<subcore_parallel>], iteration_bounds = array<i64: 2, 16>, scalar_prefetch = 0 : i64, scratch_operands = 8 : i64, tpu.core_type = #tpu.core_type<sc_vector_subcore>, window_params = [{transform_indices = #map}, {transform_indices = #map}, {transform_indices = #map1}, {transform_indices = #map1}, {transform_indices = #map1}]} {
    %mul3A = arith.constant 16 : i32
    %mul3A_0 = arith.muli %arg0, %mul3A : i32
    %add3A = arith.addi %mul3A_0, %arg1 : i32
    %mul3A_1 = arith.constant 640 : i32
    %mul3A_2 = arith.muli %arg1, %mul3A_1 : i32
    %mul3A_3 = arith.constant 640 : i32
    %mul3A_4 = arith.muli %arg1, %mul3A_3 : i32
    "tpu.region"() ({
      %run_scoped3A_47 = tpu.sem_alloc : memref<!tpu.dma_semaphore, #tpu.memory_space<semaphore_mem>>
      %dma_start3A_48 = arith.constant 0 : i32
      %dma_start3A_49 = tpu.memref_slice %arg12[%mul3A_4, %dma_start3A_48] : memref<10240x40xf32, #tpu.memory_space<vmem_shared>> -> memref<640x40xf32, #tpu.memory_space<vmem_shared>>
      %dma_start3A_50 = arith.constant 0 : i32
      %dma_start3A_51 = tpu.memref_slice %arg5[%mul3A_2, %dma_start3A_50] : memref<10240x40xf32, #tpu.memory_space<hbm>> -> memref<640x40xf32, #tpu.memory_space<hbm>>
      tpu.enqueue_dma source(%dma_start3A_51 : memref<640x40xf32, #tpu.memory_space<hbm>>) target(%dma_start3A_49 : memref<640x40xf32, #tpu.memory_space<vmem_shared>>) target_semaphore(%run_scoped3A_47 : memref<!tpu.dma_semaphore, #tpu.memory_space<semaphore_mem>>)
      %dma_wait3A_52 = arith.constant 0 : i32
      %dma_wait3A_53 = tpu.memref_slice %arg12[%mul3A_4, %dma_wait3A_52] : memref<10240x40xf32, #tpu.memory_space<vmem_shared>> -> memref<640x40xf32, #tpu.memory_space<vmem_shared>>
      %dma_wait3A_54 = arith.constant 0 : i32
      %dma_wait3A_55 = tpu.memref_slice %arg5[%mul3A_2, %dma_wait3A_54] : memref<10240x40xf32, #tpu.memory_space<hbm>> -> memref<640x40xf32, #tpu.memory_space<hbm>>
      tpu.wait_dma2 semaphore(%run_scoped3A_47 : memref<!tpu.dma_semaphore, #tpu.memory_space<semaphore_mem>>) src(%dma_wait3A_55 : memref<640x40xf32, #tpu.memory_space<hbm>>) dst(%dma_wait3A_53 : memref<640x40xf32, #tpu.memory_space<vmem_shared>>)
      tpu.yield
    }) : () -> ()
    %mul3A_5 = arith.constant 640 : i32
    %mul3A_6 = arith.muli %arg1, %mul3A_5 : i32
    %mul3A_7 = arith.constant 640 : i32
    %mul3A_8 = arith.muli %arg1, %mul3A_7 : i32
    "tpu.region"() ({
      %run_scoped3A_47 = tpu.sem_alloc : memref<!tpu.dma_semaphore, #tpu.memory_space<semaphore_mem>>
      %dma_start3A_48 = arith.constant 0 : i32
      %dma_start3A_49 = tpu.memref_slice %arg11[%mul3A_8, %dma_start3A_48] : memref<10240x40xf32, #tpu.memory_space<vmem_shared>> -> memref<640x40xf32, #tpu.memory_space<vmem_shared>>
      %dma_start3A_50 = arith.constant 0 : i32
      %dma_start3A_51 = tpu.memref_slice %arg4[%mul3A_6, %dma_start3A_50] : memref<10240x128xf32, #tpu.memory_space<hbm>> -> memref<640x40xf32, #tpu.memory_space<hbm>>
      tpu.enqueue_dma source(%dma_start3A_51 : memref<640x40xf32, #tpu.memory_space<hbm>>) target(%dma_start3A_49 : memref<640x40xf32, #tpu.memory_space<vmem_shared>>) target_semaphore(%run_scoped3A_47 : memref<!tpu.dma_semaphore, #tpu.memory_space<semaphore_mem>>)
      %dma_wait3A_52 = arith.constant 0 : i32
      %dma_wait3A_53 = tpu.memref_slice %arg11[%mul3A_8, %dma_wait3A_52] : memref<10240x40xf32, #tpu.memory_space<vmem_shared>> -> memref<640x40xf32, #tpu.memory_space<vmem_shared>>
      %dma_wait3A_54 = arith.constant 0 : i32
      %dma_wait3A_55 = tpu.memref_slice %arg4[%mul3A_6, %dma_wait3A_54] : memref<10240x128xf32, #tpu.memory_space<hbm>> -> memref<640x40xf32, #tpu.memory_space<hbm>>
      tpu.wait_dma2 semaphore(%run_scoped3A_47 : memref<!tpu.dma_semaphore, #tpu.memory_space<semaphore_mem>>) src(%dma_wait3A_55 : memref<640x40xf32, #tpu.memory_space<hbm>>) dst(%dma_wait3A_53 : memref<640x40xf32, #tpu.memory_space<vmem_shared>>)
      tpu.yield
    }) : () -> ()
    "tpu.region"() ({
      %run_scoped3A_47 = tpu.sem_alloc : memref<!tpu.dma_semaphore, #tpu.memory_space<semaphore_mem>>
      %dma_start3A_48 = arith.constant 0 : i32
      %dma_start3A_49 = arith.constant 0 : i32
      %dma_start3A_50 = tpu.memref_slice %arg2[%add3A, %dma_start3A_48, %dma_start3A_49] : memref<32x80x125xi32, #tpu.memory_space<hbm>> -> memref<1x80x125xi32, #tpu.memory_space<hbm>>
      %dma_start3A_51 = tpu.memref_squeeze %dma_start3A_50 : memref<1x80x125xi32, #tpu.memory_space<hbm>> -> memref<80x125xi32, #tpu.memory_space<hbm>>
      %dma_start3A_52 = arith.constant 0 : i32
      %dma_start3A_53 = arith.constant 0 : i32
      %dma_start3A_54 = tpu.memref_slice %arg2[%add3A, %dma_start3A_52, %dma_start3A_53] : memref<32x80x125xi32, #tpu.memory_space<hbm>> -> memref<1x80x125xi32, #tpu.memory_space<hbm>>
      %dma_start3A_55 = tpu.memref_squeeze %dma_start3A_54 : memref<1x80x125xi32, #tpu.memory_space<hbm>> -> memref<80x125xi32, #tpu.memory_space<hbm>>
      tpu.enqueue_dma source(%dma_start3A_55 : memref<80x125xi32, #tpu.memory_space<hbm>>) target(%arg7 : memref<80x125xi32, #tpu.memory_space<vmem>>) target_semaphore(%run_scoped3A_47 : memref<!tpu.dma_semaphore, #tpu.memory_space<semaphore_mem>>)
      %dma_wait3A_56 = arith.constant 0 : i32
      %dma_wait3A_57 = arith.constant 0 : i32
      %dma_wait3A_58 = tpu.memref_slice %arg2[%add3A, %dma_wait3A_56, %dma_wait3A_57] : memref<32x80x125xi32, #tpu.memory_space<hbm>> -> memref<1x80x125xi32, #tpu.memory_space<hbm>>
      %dma_wait3A_59 = tpu.memref_squeeze %dma_wait3A_58 : memref<1x80x125xi32, #tpu.memory_space<hbm>> -> memref<80x125xi32, #tpu.memory_space<hbm>>
      %dma_wait3A_60 = arith.constant 0 : i32
      %dma_wait3A_61 = arith.constant 0 : i32
      %dma_wait3A_62 = tpu.memref_slice %arg2[%add3A, %dma_wait3A_60, %dma_wait3A_61] : memref<32x80x125xi32, #tpu.memory_space<hbm>> -> memref<1x80x125xi32, #tpu.memory_space<hbm>>
      %dma_wait3A_63 = tpu.memref_squeeze %dma_wait3A_62 : memref<1x80x125xi32, #tpu.memory_space<hbm>> -> memref<80x125xi32, #tpu.memory_space<hbm>>
      tpu.wait_dma2 semaphore(%run_scoped3A_47 : memref<!tpu.dma_semaphore, #tpu.memory_space<semaphore_mem>>) src(%dma_wait3A_63 : memref<80x125xi32, #tpu.memory_space<hbm>>) dst(%arg7 : memref<80x125xi32, #tpu.memory_space<vmem>>)
      tpu.yield
    }) : () -> ()
    "tpu.region"() ({
      %run_scoped3A_47 = tpu.sem_alloc : memref<!tpu.dma_semaphore, #tpu.memory_space<semaphore_mem>>
      %dma_start3A_48 = arith.constant 0 : i32
      %dma_start3A_49 = arith.constant 0 : i32
      %dma_start3A_50 = tpu.memref_slice %arg3[%add3A, %dma_start3A_48, %dma_start3A_49] : memref<32x80x125xi32, #tpu.memory_space<hbm>> -> memref<1x80x125xi32, #tpu.memory_space<hbm>>
      %dma_start3A_51 = tpu.memref_squeeze %dma_start3A_50 : memref<1x80x125xi32, #tpu.memory_space<hbm>> -> memref<80x125xi32, #tpu.memory_space<hbm>>
      %dma_start3A_52 = arith.constant 0 : i32
      %dma_start3A_53 = arith.constant 0 : i32
      %dma_start3A_54 = tpu.memref_slice %arg3[%add3A, %dma_start3A_52, %dma_start3A_53] : memref<32x80x125xi32, #tpu.memory_space<hbm>> -> memref<1x80x125xi32, #tpu.memory_space<hbm>>
      %dma_start3A_55 = tpu.memref_squeeze %dma_start3A_54 : memref<1x80x125xi32, #tpu.memory_space<hbm>> -> memref<80x125xi32, #tpu.memory_space<hbm>>
      tpu.enqueue_dma source(%dma_start3A_55 : memref<80x125xi32, #tpu.memory_space<hbm>>) target(%arg8 : memref<80x125xi32, #tpu.memory_space<vmem>>) target_semaphore(%run_scoped3A_47 : memref<!tpu.dma_semaphore, #tpu.memory_space<semaphore_mem>>)
      %dma_wait3A_56 = arith.constant 0 : i32
      %dma_wait3A_57 = arith.constant 0 : i32
      %dma_wait3A_58 = tpu.memref_slice %arg3[%add3A, %dma_wait3A_56, %dma_wait3A_57] : memref<32x80x125xi32, #tpu.memory_space<hbm>> -> memref<1x80x125xi32, #tpu.memory_space<hbm>>
      %dma_wait3A_59 = tpu.memref_squeeze %dma_wait3A_58 : memref<1x80x125xi32, #tpu.memory_space<hbm>> -> memref<80x125xi32, #tpu.memory_space<hbm>>
      %dma_wait3A_60 = arith.constant 0 : i32
      %dma_wait3A_61 = arith.constant 0 : i32
      %dma_wait3A_62 = tpu.memref_slice %arg3[%add3A, %dma_wait3A_60, %dma_wait3A_61] : memref<32x80x125xi32, #tpu.memory_space<hbm>> -> memref<1x80x125xi32, #tpu.memory_space<hbm>>
      %dma_wait3A_63 = tpu.memref_squeeze %dma_wait3A_62 : memref<1x80x125xi32, #tpu.memory_space<hbm>> -> memref<80x125xi32, #tpu.memory_space<hbm>>
      tpu.wait_dma2 semaphore(%run_scoped3A_47 : memref<!tpu.dma_semaphore, #tpu.memory_space<semaphore_mem>>) src(%dma_wait3A_63 : memref<80x125xi32, #tpu.memory_space<hbm>>) dst(%arg8 : memref<80x125xi32, #tpu.memory_space<vmem>>)
      tpu.yield
    }) : () -> ()
    %barrier3A = arith.constant 0 : index
    tpu.barrier barrier_id(%barrier3A)
    %dma_start3A = arith.constant 0 : i32
    %dma_start3A_9 = arith.constant 0 : i32
    %dma_start3A_10 = tpu.memref_slice %arg7[%dma_start3A, %dma_start3A_9] : memref<80x125xi32, #tpu.memory_space<vmem>> -> memref<1x125xi32, #tpu.memory_space<vmem>>
    %dma_start3A_11 = tpu.memref_squeeze %dma_start3A_10 : memref<1x125xi32, #tpu.memory_space<vmem>> -> memref<125xi32, #tpu.memory_space<vmem>>
    %dma_start3A_12 = arith.constant 0 : i32
    %dma_start3A_13 = arith.constant 0 : i32
    %dma_start3A_14 = tpu.memref_slice %arg11[%dma_start3A_12, %dma_start3A_13] : memref<10240x40xf32, #tpu.memory_space<vmem_shared>> -> memref<10240x40xf32, #tpu.memory_space<vmem_shared>>
    tpu.enqueue_indirect_dma source(%dma_start3A_14 : memref<10240x40xf32, #tpu.memory_space<vmem_shared>>) target(%arg9 : memref<125x40xf32, #tpu.memory_space<vmem>>) offsets(%dma_start3A_11 : memref<125xi32, #tpu.memory_space<vmem>>) semaphore(%arg13 : memref<!tpu.dma_semaphore, #tpu.memory_space<semaphore_mem>>)
    %scan3A = arith.constant 0 : i32
    %scan3A_15 = arith.constant 39 : i32
    %scan3A_16 = arith.addi %scan3A, %scan3A_15 : i32
    %scan3A_17 = arith.constant 1 : i32
    scf.for %scan3A_47 = %scan3A to %scan3A_16 step %scan3A_17  : i32 {
      %mul3A_48 = arith.constant 1 : i32
      %mul3A_49 = arith.muli %scan3A_47, %mul3A_48 : i32
      %add3A_50 = arith.constant 0 : i32
      %add3A_51 = arith.addi %add3A_50, %mul3A_49 : i32
      %mul3A_52 = arith.constant 2 : i32
      %mul3A_53 = arith.muli %mul3A_52, %add3A_51 : i32
      %add3A_54 = arith.constant 1 : i32
      %add3A_55 = arith.addi %mul3A_53, %add3A_54 : i32
      %dma_start3A_56 = arith.constant 0 : i32
      %dma_start3A_57 = tpu.memref_slice %arg7[%add3A_55, %dma_start3A_56] : memref<80x125xi32, #tpu.memory_space<vmem>> -> memref<1x125xi32, #tpu.memory_space<vmem>>
      %dma_start3A_58 = tpu.memref_squeeze %dma_start3A_57 : memref<1x125xi32, #tpu.memory_space<vmem>> -> memref<125xi32, #tpu.memory_space<vmem>>
      %dma_start3A_59 = arith.constant 0 : i32
      %dma_start3A_60 = arith.constant 0 : i32
      %dma_start3A_61 = tpu.memref_slice %arg11[%dma_start3A_59, %dma_start3A_60] : memref<10240x40xf32, #tpu.memory_space<vmem_shared>> -> memref<10240x40xf32, #tpu.memory_space<vmem_shared>>
      tpu.enqueue_indirect_dma source(%dma_start3A_61 : memref<10240x40xf32, #tpu.memory_space<vmem_shared>>) target(%arg10 : memref<125x40xf32, #tpu.memory_space<vmem>>) offsets(%dma_start3A_58 : memref<125xi32, #tpu.memory_space<vmem>>) semaphore(%arg14 : memref<!tpu.dma_semaphore, #tpu.memory_space<semaphore_mem>>)
      %dma_wait3A_62 = arith.constant 0 : i32
      %dma_wait3A_63 = arith.constant 0 : i32
      %dma_wait3A_64 = tpu.memref_slice %arg7[%dma_wait3A_62, %dma_wait3A_63] : memref<80x125xi32, #tpu.memory_space<vmem>> -> memref<1x125xi32, #tpu.memory_space<vmem>>
      %dma_wait3A_65 = tpu.memref_squeeze %dma_wait3A_64 : memref<1x125xi32, #tpu.memory_space<vmem>> -> memref<125xi32, #tpu.memory_space<vmem>>
      %dma_wait3A_66 = arith.constant 0 : i32
      %dma_wait3A_67 = arith.constant 0 : i32
      %dma_wait3A_68 = tpu.memref_slice %arg11[%dma_wait3A_66, %dma_wait3A_67] : memref<10240x40xf32, #tpu.memory_space<vmem_shared>> -> memref<10240x40xf32, #tpu.memory_space<vmem_shared>>
      tpu.wait_indirect_dma semaphore(%arg13 : memref<!tpu.dma_semaphore, #tpu.memory_space<semaphore_mem>>) src(%dma_wait3A_68 : memref<10240x40xf32, #tpu.memory_space<vmem_shared>>) dst(%arg9 : memref<125x40xf32, #tpu.memory_space<vmem>>)
      "tpu.region"() ({
        %run_scoped3A_86 = tpu.sem_alloc : memref<!tpu.dma_semaphore, #tpu.memory_space<semaphore_mem>>
        %dma_start3A_87 = arith.constant 0 : i32
        %dma_start3A_88 = tpu.memref_slice %arg8[%mul3A_53, %dma_start3A_87] : memref<80x125xi32, #tpu.memory_space<vmem>> -> memref<1x125xi32, #tpu.memory_space<vmem>>
        %dma_start3A_89 = tpu.memref_squeeze %dma_start3A_88 : memref<1x125xi32, #tpu.memory_space<vmem>> -> memref<125xi32, #tpu.memory_space<vmem>>
        %dma_start3A_90 = arith.constant 0 : i32
        %dma_start3A_91 = arith.constant 0 : i32
        %dma_start3A_92 = tpu.memref_slice %arg12[%dma_start3A_90, %dma_start3A_91] : memref<10240x40xf32, #tpu.memory_space<vmem_shared>> -> memref<10240x40xf32, #tpu.memory_space<vmem_shared>>
        tpu.enqueue_indirect_dma source(%arg9 : memref<125x40xf32, #tpu.memory_space<vmem>>) target(%dma_start3A_92 : memref<10240x40xf32, #tpu.memory_space<vmem_shared>>) offsets(%dma_start3A_89 : memref<125xi32, #tpu.memory_space<vmem>>) semaphore(%run_scoped3A_86 : memref<!tpu.dma_semaphore, #tpu.memory_space<semaphore_mem>>) {add = true}
        %dma_wait3A_93 = arith.constant 0 : i32
        %dma_wait3A_94 = tpu.memref_slice %arg8[%mul3A_53, %dma_wait3A_93] : memref<80x125xi32, #tpu.memory_space<vmem>> -> memref<1x125xi32, #tpu.memory_space<vmem>>
        %dma_wait3A_95 = tpu.memref_squeeze %dma_wait3A_94 : memref<1x125xi32, #tpu.memory_space<vmem>> -> memref<125xi32, #tpu.memory_space<vmem>>
        %dma_wait3A_96 = arith.constant 0 : i32
        %dma_wait3A_97 = arith.constant 0 : i32
        %dma_wait3A_98 = tpu.memref_slice %arg12[%dma_wait3A_96, %dma_wait3A_97] : memref<10240x40xf32, #tpu.memory_space<vmem_shared>> -> memref<10240x40xf32, #tpu.memory_space<vmem_shared>>
        tpu.wait_indirect_dma semaphore(%run_scoped3A_86 : memref<!tpu.dma_semaphore, #tpu.memory_space<semaphore_mem>>) src(%arg9 : memref<125x40xf32, #tpu.memory_space<vmem>>) dst(%dma_wait3A_98 : memref<10240x40xf32, #tpu.memory_space<vmem_shared>>)
        tpu.yield
      }) : () -> ()
      %add3A_69 = arith.constant 2 : i32
      %add3A_70 = arith.addi %mul3A_53, %add3A_69 : i32
      %dma_start3A_71 = arith.constant 0 : i32
      %dma_start3A_72 = tpu.memref_slice %arg7[%add3A_70, %dma_start3A_71] : memref<80x125xi32, #tpu.memory_space<vmem>> -> memref<1x125xi32, #tpu.memory_space<vmem>>
      %dma_start3A_73 = tpu.memref_squeeze %dma_start3A_72 : memref<1x125xi32, #tpu.memory_space<vmem>> -> memref<125xi32, #tpu.memory_space<vmem>>
      %dma_start3A_74 = arith.constant 0 : i32
      %dma_start3A_75 = arith.constant 0 : i32
      %dma_start3A_76 = tpu.memref_slice %arg11[%dma_start3A_74, %dma_start3A_75] : memref<10240x40xf32, #tpu.memory_space<vmem_shared>> -> memref<10240x40xf32, #tpu.memory_space<vmem_shared>>
      tpu.enqueue_indirect_dma source(%dma_start3A_76 : memref<10240x40xf32, #tpu.memory_space<vmem_shared>>) target(%arg9 : memref<125x40xf32, #tpu.memory_space<vmem>>) offsets(%dma_start3A_73 : memref<125xi32, #tpu.memory_space<vmem>>) semaphore(%arg13 : memref<!tpu.dma_semaphore, #tpu.memory_space<semaphore_mem>>)
      %dma_wait3A_77 = arith.constant 0 : i32
      %dma_wait3A_78 = arith.constant 0 : i32
      %dma_wait3A_79 = tpu.memref_slice %arg7[%dma_wait3A_77, %dma_wait3A_78] : memref<80x125xi32, #tpu.memory_space<vmem>> -> memref<1x125xi32, #tpu.memory_space<vmem>>
      %dma_wait3A_80 = tpu.memref_squeeze %dma_wait3A_79 : memref<1x125xi32, #tpu.memory_space<vmem>> -> memref<125xi32, #tpu.memory_space<vmem>>
      %dma_wait3A_81 = arith.constant 0 : i32
      %dma_wait3A_82 = arith.constant 0 : i32
      %dma_wait3A_83 = tpu.memref_slice %arg11[%dma_wait3A_81, %dma_wait3A_82] : memref<10240x40xf32, #tpu.memory_space<vmem_shared>> -> memref<10240x40xf32, #tpu.memory_space<vmem_shared>>
      tpu.wait_indirect_dma semaphore(%arg14 : memref<!tpu.dma_semaphore, #tpu.memory_space<semaphore_mem>>) src(%dma_wait3A_83 : memref<10240x40xf32, #tpu.memory_space<vmem_shared>>) dst(%arg10 : memref<125x40xf32, #tpu.memory_space<vmem>>)
      %add3A_84 = arith.constant 1 : i32
      %add3A_85 = arith.addi %mul3A_53, %add3A_84 : i32
      "tpu.region"() ({
        %run_scoped3A_86 = tpu.sem_alloc : memref<!tpu.dma_semaphore, #tpu.memory_space<semaphore_mem>>
        %dma_start3A_87 = arith.constant 0 : i32
        %dma_start3A_88 = tpu.memref_slice %arg8[%add3A_85, %dma_start3A_87] : memref<80x125xi32, #tpu.memory_space<vmem>> -> memref<1x125xi32, #tpu.memory_space<vmem>>
        %dma_start3A_89 = tpu.memref_squeeze %dma_start3A_88 : memref<1x125xi32, #tpu.memory_space<vmem>> -> memref<125xi32, #tpu.memory_space<vmem>>
        %dma_start3A_90 = arith.constant 0 : i32
        %dma_start3A_91 = arith.constant 0 : i32
        %dma_start3A_92 = tpu.memref_slice %arg12[%dma_start3A_90, %dma_start3A_91] : memref<10240x40xf32, #tpu.memory_space<vmem_shared>> -> memref<10240x40xf32, #tpu.memory_space<vmem_shared>>
        tpu.enqueue_indirect_dma source(%arg10 : memref<125x40xf32, #tpu.memory_space<vmem>>) target(%dma_start3A_92 : memref<10240x40xf32, #tpu.memory_space<vmem_shared>>) offsets(%dma_start3A_89 : memref<125xi32, #tpu.memory_space<vmem>>) semaphore(%run_scoped3A_86 : memref<!tpu.dma_semaphore, #tpu.memory_space<semaphore_mem>>) {add = true}
        %dma_wait3A_93 = arith.constant 0 : i32
        %dma_wait3A_94 = tpu.memref_slice %arg8[%add3A_85, %dma_wait3A_93] : memref<80x125xi32, #tpu.memory_space<vmem>> -> memref<1x125xi32, #tpu.memory_space<vmem>>
        %dma_wait3A_95 = tpu.memref_squeeze %dma_wait3A_94 : memref<1x125xi32, #tpu.memory_space<vmem>> -> memref<125xi32, #tpu.memory_space<vmem>>
        %dma_wait3A_96 = arith.constant 0 : i32
        %dma_wait3A_97 = arith.constant 0 : i32
        %dma_wait3A_98 = tpu.memref_slice %arg12[%dma_wait3A_96, %dma_wait3A_97] : memref<10240x40xf32, #tpu.memory_space<vmem_shared>> -> memref<10240x40xf32, #tpu.memory_space<vmem_shared>>
        tpu.wait_indirect_dma semaphore(%run_scoped3A_86 : memref<!tpu.dma_semaphore, #tpu.memory_space<semaphore_mem>>) src(%arg10 : memref<125x40xf32, #tpu.memory_space<vmem>>) dst(%dma_wait3A_98 : memref<10240x40xf32, #tpu.memory_space<vmem_shared>>)
        tpu.yield
      }) : () -> ()
    }
    %scan3A_18 = arith.constant 39 : i32
    %dma_start3A_19 = arith.constant 79 : i32
    %dma_start3A_20 = arith.constant 0 : i32
    %dma_start3A_21 = tpu.memref_slice %arg7[%dma_start3A_19, %dma_start3A_20] : memref<80x125xi32, #tpu.memory_space<vmem>> -> memref<1x125xi32, #tpu.memory_space<vmem>>
    %dma_start3A_22 = tpu.memref_squeeze %dma_start3A_21 : memref<1x125xi32, #tpu.memory_space<vmem>> -> memref<125xi32, #tpu.memory_space<vmem>>
    %dma_start3A_23 = arith.constant 0 : i32
    %dma_start3A_24 = arith.constant 0 : i32
    %dma_start3A_25 = tpu.memref_slice %arg11[%dma_start3A_23, %dma_start3A_24] : memref<10240x40xf32, #tpu.memory_space<vmem_shared>> -> memref<10240x40xf32, #tpu.memory_space<vmem_shared>>
    tpu.enqueue_indirect_dma source(%dma_start3A_25 : memref<10240x40xf32, #tpu.memory_space<vmem_shared>>) target(%arg10 : memref<125x40xf32, #tpu.memory_space<vmem>>) offsets(%dma_start3A_22 : memref<125xi32, #tpu.memory_space<vmem>>) semaphore(%arg14 : memref<!tpu.dma_semaphore, #tpu.memory_space<semaphore_mem>>)
    %dma_wait3A = arith.constant 0 : i32
    %dma_wait3A_26 = arith.constant 0 : i32
    %dma_wait3A_27 = tpu.memref_slice %arg7[%dma_wait3A, %dma_wait3A_26] : memref<80x125xi32, #tpu.memory_space<vmem>> -> memref<1x125xi32, #tpu.memory_space<vmem>>
    %dma_wait3A_28 = tpu.memref_squeeze %dma_wait3A_27 : memref<1x125xi32, #tpu.memory_space<vmem>> -> memref<125xi32, #tpu.memory_space<vmem>>
    %dma_wait3A_29 = arith.constant 0 : i32
    %dma_wait3A_30 = arith.constant 0 : i32
    %dma_wait3A_31 = tpu.memref_slice %arg11[%dma_wait3A_29, %dma_wait3A_30] : memref<10240x40xf32, #tpu.memory_space<vmem_shared>> -> memref<10240x40xf32, #tpu.memory_space<vmem_shared>>
    tpu.wait_indirect_dma semaphore(%arg13 : memref<!tpu.dma_semaphore, #tpu.memory_space<semaphore_mem>>) src(%dma_wait3A_31 : memref<10240x40xf32, #tpu.memory_space<vmem_shared>>) dst(%arg9 : memref<125x40xf32, #tpu.memory_space<vmem>>)
    %run_scoped3A = arith.constant 78 : i32
    "tpu.region"() ({
      %run_scoped3A_47 = tpu.sem_alloc : memref<!tpu.dma_semaphore, #tpu.memory_space<semaphore_mem>>
      %dma_start3A_48 = arith.constant 0 : i32
      %dma_start3A_49 = tpu.memref_slice %arg8[%run_scoped3A, %dma_start3A_48] : memref<80x125xi32, #tpu.memory_space<vmem>> -> memref<1x125xi32, #tpu.memory_space<vmem>>
      %dma_start3A_50 = tpu.memref_squeeze %dma_start3A_49 : memref<1x125xi32, #tpu.memory_space<vmem>> -> memref<125xi32, #tpu.memory_space<vmem>>
      %dma_start3A_51 = arith.constant 0 : i32
      %dma_start3A_52 = arith.constant 0 : i32
      %dma_start3A_53 = tpu.memref_slice %arg12[%dma_start3A_51, %dma_start3A_52] : memref<10240x40xf32, #tpu.memory_space<vmem_shared>> -> memref<10240x40xf32, #tpu.memory_space<vmem_shared>>
      tpu.enqueue_indirect_dma source(%arg9 : memref<125x40xf32, #tpu.memory_space<vmem>>) target(%dma_start3A_53 : memref<10240x40xf32, #tpu.memory_space<vmem_shared>>) offsets(%dma_start3A_50 : memref<125xi32, #tpu.memory_space<vmem>>) semaphore(%run_scoped3A_47 : memref<!tpu.dma_semaphore, #tpu.memory_space<semaphore_mem>>) {add = true}
      %dma_wait3A_54 = arith.constant 0 : i32
      %dma_wait3A_55 = tpu.memref_slice %arg8[%run_scoped3A, %dma_wait3A_54] : memref<80x125xi32, #tpu.memory_space<vmem>> -> memref<1x125xi32, #tpu.memory_space<vmem>>
      %dma_wait3A_56 = tpu.memref_squeeze %dma_wait3A_55 : memref<1x125xi32, #tpu.memory_space<vmem>> -> memref<125xi32, #tpu.memory_space<vmem>>
      %dma_wait3A_57 = arith.constant 0 : i32
      %dma_wait3A_58 = arith.constant 0 : i32
      %dma_wait3A_59 = tpu.memref_slice %arg12[%dma_wait3A_57, %dma_wait3A_58] : memref<10240x40xf32, #tpu.memory_space<vmem_shared>> -> memref<10240x40xf32, #tpu.memory_space<vmem_shared>>
      tpu.wait_indirect_dma semaphore(%run_scoped3A_47 : memref<!tpu.dma_semaphore, #tpu.memory_space<semaphore_mem>>) src(%arg9 : memref<125x40xf32, #tpu.memory_space<vmem>>) dst(%dma_wait3A_59 : memref<10240x40xf32, #tpu.memory_space<vmem_shared>>)
      tpu.yield
    }) : () -> ()
    %dma_wait3A_32 = arith.constant 0 : i32
    %dma_wait3A_33 = arith.constant 0 : i32
    %dma_wait3A_34 = tpu.memref_slice %arg7[%dma_wait3A_32, %dma_wait3A_33] : memref<80x125xi32, #tpu.memory_space<vmem>> -> memref<1x125xi32, #tpu.memory_space<vmem>>
    %dma_wait3A_35 = tpu.memref_squeeze %dma_wait3A_34 : memref<1x125xi32, #tpu.memory_space<vmem>> -> memref<125xi32, #tpu.memory_space<vmem>>
    %dma_wait3A_36 = arith.constant 0 : i32
    %dma_wait3A_37 = arith.constant 0 : i32
    %dma_wait3A_38 = tpu.memref_slice %arg11[%dma_wait3A_36, %dma_wait3A_37] : memref<10240x40xf32, #tpu.memory_space<vmem_shared>> -> memref<10240x40xf32, #tpu.memory_space<vmem_shared>>
    tpu.wait_indirect_dma semaphore(%arg14 : memref<!tpu.dma_semaphore, #tpu.memory_space<semaphore_mem>>) src(%dma_wait3A_38 : memref<10240x40xf32, #tpu.memory_space<vmem_shared>>) dst(%arg10 : memref<125x40xf32, #tpu.memory_space<vmem>>)
    %run_scoped3A_39 = arith.constant 79 : i32
    "tpu.region"() ({
      %run_scoped3A_47 = tpu.sem_alloc : memref<!tpu.dma_semaphore, #tpu.memory_space<semaphore_mem>>
      %dma_start3A_48 = arith.constant 0 : i32
      %dma_start3A_49 = tpu.memref_slice %arg8[%run_scoped3A_39, %dma_start3A_48] : memref<80x125xi32, #tpu.memory_space<vmem>> -> memref<1x125xi32, #tpu.memory_space<vmem>>
      %dma_start3A_50 = tpu.memref_squeeze %dma_start3A_49 : memref<1x125xi32, #tpu.memory_space<vmem>> -> memref<125xi32, #tpu.memory_space<vmem>>
      %dma_start3A_51 = arith.constant 0 : i32
      %dma_start3A_52 = arith.constant 0 : i32
      %dma_start3A_53 = tpu.memref_slice %arg12[%dma_start3A_51, %dma_start3A_52] : memref<10240x40xf32, #tpu.memory_space<vmem_shared>> -> memref<10240x40xf32, #tpu.memory_space<vmem_shared>>
      tpu.enqueue_indirect_dma source(%arg10 : memref<125x40xf32, #tpu.memory_space<vmem>>) target(%dma_start3A_53 : memref<10240x40xf32, #tpu.memory_space<vmem_shared>>) offsets(%dma_start3A_50 : memref<125xi32, #tpu.memory_space<vmem>>) semaphore(%run_scoped3A_47 : memref<!tpu.dma_semaphore, #tpu.memory_space<semaphore_mem>>) {add = true}
      %dma_wait3A_54 = arith.constant 0 : i32
      %dma_wait3A_55 = tpu.memref_slice %arg8[%run_scoped3A_39, %dma_wait3A_54] : memref<80x125xi32, #tpu.memory_space<vmem>> -> memref<1x125xi32, #tpu.memory_space<vmem>>
      %dma_wait3A_56 = tpu.memref_squeeze %dma_wait3A_55 : memref<1x125xi32, #tpu.memory_space<vmem>> -> memref<125xi32, #tpu.memory_space<vmem>>
      %dma_wait3A_57 = arith.constant 0 : i32
      %dma_wait3A_58 = arith.constant 0 : i32
      %dma_wait3A_59 = tpu.memref_slice %arg12[%dma_wait3A_57, %dma_wait3A_58] : memref<10240x40xf32, #tpu.memory_space<vmem_shared>> -> memref<10240x40xf32, #tpu.memory_space<vmem_shared>>
      tpu.wait_indirect_dma semaphore(%run_scoped3A_47 : memref<!tpu.dma_semaphore, #tpu.memory_space<semaphore_mem>>) src(%arg10 : memref<125x40xf32, #tpu.memory_space<vmem>>) dst(%dma_wait3A_59 : memref<10240x40xf32, #tpu.memory_space<vmem_shared>>)
      tpu.yield
    }) : () -> ()
    %barrier3A_40 = arith.constant 0 : index
    tpu.barrier barrier_id(%barrier3A_40)
    %mul3A_41 = arith.constant 640 : i32
    %mul3A_42 = arith.muli %arg1, %mul3A_41 : i32
    %mul3A_43 = arith.constant 640 : i32
    %mul3A_44 = arith.muli %arg1, %mul3A_43 : i32
    %mul3A_45 = arith.constant 64 : i32
    %mul3A_46 = arith.muli %arg0, %mul3A_45 : i32
    "tpu.region"() ({
      %run_scoped3A_47 = tpu.sem_alloc : memref<!tpu.dma_semaphore, #tpu.memory_space<semaphore_mem>>
      %dma_start3A_48 = tpu.memref_slice %arg6[%mul3A_44, %mul3A_46] : memref<10240x128xf32, #tpu.memory_space<hbm>> -> memref<640x40xf32, #tpu.memory_space<hbm>>
      %dma_start3A_49 = arith.constant 0 : i32
      %dma_start3A_50 = tpu.memref_slice %arg12[%mul3A_42, %dma_start3A_49] : memref<10240x40xf32, #tpu.memory_space<vmem_shared>> -> memref<640x40xf32, #tpu.memory_space<vmem_shared>>
      tpu.enqueue_dma source(%dma_start3A_50 : memref<640x40xf32, #tpu.memory_space<vmem_shared>>) target(%dma_start3A_48 : memref<640x40xf32, #tpu.memory_space<hbm>>) target_semaphore(%run_scoped3A_47 : memref<!tpu.dma_semaphore, #tpu.memory_space<semaphore_mem>>)
      %dma_wait3A_51 = tpu.memref_slice %arg6[%mul3A_44, %mul3A_46] : memref<10240x128xf32, #tpu.memory_space<hbm>> -> memref<640x40xf32, #tpu.memory_space<hbm>>
      %dma_wait3A_52 = arith.constant 0 : i32
      %dma_wait3A_53 = tpu.memref_slice %arg12[%mul3A_42, %dma_wait3A_52] : memref<10240x40xf32, #tpu.memory_space<vmem_shared>> -> memref<640x40xf32, #tpu.memory_space<vmem_shared>>
      tpu.wait_dma2 semaphore(%run_scoped3A_47 : memref<!tpu.dma_semaphore, #tpu.memory_space<semaphore_mem>>) src(%dma_wait3A_53 : memref<640x40xf32, #tpu.memory_space<vmem_shared>>) dst(%dma_wait3A_51 : memref<640x40xf32, #tpu.memory_space<hbm>>)
      tpu.yield
    }) : () -> ()
    return
  }
}

#map = affine_map<(d0, d1) -> (0, 0, 0)>
#map1 = affine_map<(d0, d1) -> (0, 0)>
module attributes {stable_mosaic.version = 14 : i64} {
  func.func @sc_gcn_agg_64(%arg0: i32, %arg1: i32, %arg2: memref<32x80x125xi32, #tpu.memory_space<hbm>>, %arg3: memref<32x80x125xi32, #tpu.memory_space<hbm>>, %arg4: memref<10240x128xf32, #tpu.memory_space<hbm>>, %arg5: memref<10240x64xf32, #tpu.memory_space<hbm>>, %arg6: memref<10240x128xf32, #tpu.memory_space<hbm>>, %arg7: memref<80x125xi32, #tpu.memory_space<vmem>>, %arg8: memref<80x125xi32, #tpu.memory_space<vmem>>, %arg9: memref<125x64xf32, #tpu.memory_space<vmem>>, %arg10: memref<125x64xf32, #tpu.memory_space<vmem>>, %arg11: memref<10240x64xf32, #tpu.memory_space<vmem_shared>>, %arg12: memref<10240x64xf32, #tpu.memory_space<vmem_shared>>, %arg13: memref<!tpu.dma_semaphore, #tpu.memory_space<semaphore_mem>>, %arg14: memref<!tpu.dma_semaphore, #tpu.memory_space<semaphore_mem>>) attributes {dimension_semantics = [#tpu.dimension_semantics<core_parallel>, #tpu.dimension_semantics<subcore_parallel>], iteration_bounds = array<i64: 2, 16>, scalar_prefetch = 0 : i64, scratch_operands = 8 : i64, tpu.core_type = #tpu.core_type<sc_vector_subcore>, window_params = [{transform_indices = #map}, {transform_indices = #map}, {transform_indices = #map1}, {transform_indices = #map1}, {transform_indices = #map1}]} {
    %mul3A = arith.constant 16 : i32
    %mul3A_0 = arith.muli %arg0, %mul3A : i32
    %add3A = arith.addi %mul3A_0, %arg1 : i32
    %mul3A_1 = arith.constant 640 : i32
    %mul3A_2 = arith.muli %arg1, %mul3A_1 : i32
    %mul3A_3 = arith.constant 640 : i32
    %mul3A_4 = arith.muli %arg1, %mul3A_3 : i32
    "tpu.region"() ({
      %run_scoped3A_47 = tpu.sem_alloc : memref<!tpu.dma_semaphore, #tpu.memory_space<semaphore_mem>>
      %dma_start3A_48 = arith.constant 0 : i32
      %dma_start3A_49 = tpu.memref_slice %arg12[%mul3A_4, %dma_start3A_48] : memref<10240x64xf32, #tpu.memory_space<vmem_shared>> -> memref<640x64xf32, #tpu.memory_space<vmem_shared>>
      %dma_start3A_50 = arith.constant 0 : i32
      %dma_start3A_51 = tpu.memref_slice %arg5[%mul3A_2, %dma_start3A_50] : memref<10240x64xf32, #tpu.memory_space<hbm>> -> memref<640x64xf32, #tpu.memory_space<hbm>>
      tpu.enqueue_dma source(%dma_start3A_51 : memref<640x64xf32, #tpu.memory_space<hbm>>) target(%dma_start3A_49 : memref<640x64xf32, #tpu.memory_space<vmem_shared>>) target_semaphore(%run_scoped3A_47 : memref<!tpu.dma_semaphore, #tpu.memory_space<semaphore_mem>>)
      %dma_wait3A_52 = arith.constant 0 : i32
      %dma_wait3A_53 = tpu.memref_slice %arg12[%mul3A_4, %dma_wait3A_52] : memref<10240x64xf32, #tpu.memory_space<vmem_shared>> -> memref<640x64xf32, #tpu.memory_space<vmem_shared>>
      %dma_wait3A_54 = arith.constant 0 : i32
      %dma_wait3A_55 = tpu.memref_slice %arg5[%mul3A_2, %dma_wait3A_54] : memref<10240x64xf32, #tpu.memory_space<hbm>> -> memref<640x64xf32, #tpu.memory_space<hbm>>
      tpu.wait_dma2 semaphore(%run_scoped3A_47 : memref<!tpu.dma_semaphore, #tpu.memory_space<semaphore_mem>>) src(%dma_wait3A_55 : memref<640x64xf32, #tpu.memory_space<hbm>>) dst(%dma_wait3A_53 : memref<640x64xf32, #tpu.memory_space<vmem_shared>>)
      tpu.yield
    }) : () -> ()
    %mul3A_5 = arith.constant 640 : i32
    %mul3A_6 = arith.muli %arg1, %mul3A_5 : i32
    %mul3A_7 = arith.constant 640 : i32
    %mul3A_8 = arith.muli %arg1, %mul3A_7 : i32
    "tpu.region"() ({
      %run_scoped3A_47 = tpu.sem_alloc : memref<!tpu.dma_semaphore, #tpu.memory_space<semaphore_mem>>
      %dma_start3A_48 = arith.constant 0 : i32
      %dma_start3A_49 = tpu.memref_slice %arg11[%mul3A_8, %dma_start3A_48] : memref<10240x64xf32, #tpu.memory_space<vmem_shared>> -> memref<640x64xf32, #tpu.memory_space<vmem_shared>>
      %dma_start3A_50 = arith.constant 0 : i32
      %dma_start3A_51 = tpu.memref_slice %arg4[%mul3A_6, %dma_start3A_50] : memref<10240x128xf32, #tpu.memory_space<hbm>> -> memref<640x64xf32, #tpu.memory_space<hbm>>
      tpu.enqueue_dma source(%dma_start3A_51 : memref<640x64xf32, #tpu.memory_space<hbm>>) target(%dma_start3A_49 : memref<640x64xf32, #tpu.memory_space<vmem_shared>>) target_semaphore(%run_scoped3A_47 : memref<!tpu.dma_semaphore, #tpu.memory_space<semaphore_mem>>)
      %dma_wait3A_52 = arith.constant 0 : i32
      %dma_wait3A_53 = tpu.memref_slice %arg11[%mul3A_8, %dma_wait3A_52] : memref<10240x64xf32, #tpu.memory_space<vmem_shared>> -> memref<640x64xf32, #tpu.memory_space<vmem_shared>>
      %dma_wait3A_54 = arith.constant 0 : i32
      %dma_wait3A_55 = tpu.memref_slice %arg4[%mul3A_6, %dma_wait3A_54] : memref<10240x128xf32, #tpu.memory_space<hbm>> -> memref<640x64xf32, #tpu.memory_space<hbm>>
      tpu.wait_dma2 semaphore(%run_scoped3A_47 : memref<!tpu.dma_semaphore, #tpu.memory_space<semaphore_mem>>) src(%dma_wait3A_55 : memref<640x64xf32, #tpu.memory_space<hbm>>) dst(%dma_wait3A_53 : memref<640x64xf32, #tpu.memory_space<vmem_shared>>)
      tpu.yield
    }) : () -> ()
    "tpu.region"() ({
      %run_scoped3A_47 = tpu.sem_alloc : memref<!tpu.dma_semaphore, #tpu.memory_space<semaphore_mem>>
      %dma_start3A_48 = arith.constant 0 : i32
      %dma_start3A_49 = arith.constant 0 : i32
      %dma_start3A_50 = tpu.memref_slice %arg2[%add3A, %dma_start3A_48, %dma_start3A_49] : memref<32x80x125xi32, #tpu.memory_space<hbm>> -> memref<1x80x125xi32, #tpu.memory_space<hbm>>
      %dma_start3A_51 = tpu.memref_squeeze %dma_start3A_50 : memref<1x80x125xi32, #tpu.memory_space<hbm>> -> memref<80x125xi32, #tpu.memory_space<hbm>>
      %dma_start3A_52 = arith.constant 0 : i32
      %dma_start3A_53 = arith.constant 0 : i32
      %dma_start3A_54 = tpu.memref_slice %arg2[%add3A, %dma_start3A_52, %dma_start3A_53] : memref<32x80x125xi32, #tpu.memory_space<hbm>> -> memref<1x80x125xi32, #tpu.memory_space<hbm>>
      %dma_start3A_55 = tpu.memref_squeeze %dma_start3A_54 : memref<1x80x125xi32, #tpu.memory_space<hbm>> -> memref<80x125xi32, #tpu.memory_space<hbm>>
      tpu.enqueue_dma source(%dma_start3A_55 : memref<80x125xi32, #tpu.memory_space<hbm>>) target(%arg7 : memref<80x125xi32, #tpu.memory_space<vmem>>) target_semaphore(%run_scoped3A_47 : memref<!tpu.dma_semaphore, #tpu.memory_space<semaphore_mem>>)
      %dma_wait3A_56 = arith.constant 0 : i32
      %dma_wait3A_57 = arith.constant 0 : i32
      %dma_wait3A_58 = tpu.memref_slice %arg2[%add3A, %dma_wait3A_56, %dma_wait3A_57] : memref<32x80x125xi32, #tpu.memory_space<hbm>> -> memref<1x80x125xi32, #tpu.memory_space<hbm>>
      %dma_wait3A_59 = tpu.memref_squeeze %dma_wait3A_58 : memref<1x80x125xi32, #tpu.memory_space<hbm>> -> memref<80x125xi32, #tpu.memory_space<hbm>>
      %dma_wait3A_60 = arith.constant 0 : i32
      %dma_wait3A_61 = arith.constant 0 : i32
      %dma_wait3A_62 = tpu.memref_slice %arg2[%add3A, %dma_wait3A_60, %dma_wait3A_61] : memref<32x80x125xi32, #tpu.memory_space<hbm>> -> memref<1x80x125xi32, #tpu.memory_space<hbm>>
      %dma_wait3A_63 = tpu.memref_squeeze %dma_wait3A_62 : memref<1x80x125xi32, #tpu.memory_space<hbm>> -> memref<80x125xi32, #tpu.memory_space<hbm>>
      tpu.wait_dma2 semaphore(%run_scoped3A_47 : memref<!tpu.dma_semaphore, #tpu.memory_space<semaphore_mem>>) src(%dma_wait3A_63 : memref<80x125xi32, #tpu.memory_space<hbm>>) dst(%arg7 : memref<80x125xi32, #tpu.memory_space<vmem>>)
      tpu.yield
    }) : () -> ()
    "tpu.region"() ({
      %run_scoped3A_47 = tpu.sem_alloc : memref<!tpu.dma_semaphore, #tpu.memory_space<semaphore_mem>>
      %dma_start3A_48 = arith.constant 0 : i32
      %dma_start3A_49 = arith.constant 0 : i32
      %dma_start3A_50 = tpu.memref_slice %arg3[%add3A, %dma_start3A_48, %dma_start3A_49] : memref<32x80x125xi32, #tpu.memory_space<hbm>> -> memref<1x80x125xi32, #tpu.memory_space<hbm>>
      %dma_start3A_51 = tpu.memref_squeeze %dma_start3A_50 : memref<1x80x125xi32, #tpu.memory_space<hbm>> -> memref<80x125xi32, #tpu.memory_space<hbm>>
      %dma_start3A_52 = arith.constant 0 : i32
      %dma_start3A_53 = arith.constant 0 : i32
      %dma_start3A_54 = tpu.memref_slice %arg3[%add3A, %dma_start3A_52, %dma_start3A_53] : memref<32x80x125xi32, #tpu.memory_space<hbm>> -> memref<1x80x125xi32, #tpu.memory_space<hbm>>
      %dma_start3A_55 = tpu.memref_squeeze %dma_start3A_54 : memref<1x80x125xi32, #tpu.memory_space<hbm>> -> memref<80x125xi32, #tpu.memory_space<hbm>>
      tpu.enqueue_dma source(%dma_start3A_55 : memref<80x125xi32, #tpu.memory_space<hbm>>) target(%arg8 : memref<80x125xi32, #tpu.memory_space<vmem>>) target_semaphore(%run_scoped3A_47 : memref<!tpu.dma_semaphore, #tpu.memory_space<semaphore_mem>>)
      %dma_wait3A_56 = arith.constant 0 : i32
      %dma_wait3A_57 = arith.constant 0 : i32
      %dma_wait3A_58 = tpu.memref_slice %arg3[%add3A, %dma_wait3A_56, %dma_wait3A_57] : memref<32x80x125xi32, #tpu.memory_space<hbm>> -> memref<1x80x125xi32, #tpu.memory_space<hbm>>
      %dma_wait3A_59 = tpu.memref_squeeze %dma_wait3A_58 : memref<1x80x125xi32, #tpu.memory_space<hbm>> -> memref<80x125xi32, #tpu.memory_space<hbm>>
      %dma_wait3A_60 = arith.constant 0 : i32
      %dma_wait3A_61 = arith.constant 0 : i32
      %dma_wait3A_62 = tpu.memref_slice %arg3[%add3A, %dma_wait3A_60, %dma_wait3A_61] : memref<32x80x125xi32, #tpu.memory_space<hbm>> -> memref<1x80x125xi32, #tpu.memory_space<hbm>>
      %dma_wait3A_63 = tpu.memref_squeeze %dma_wait3A_62 : memref<1x80x125xi32, #tpu.memory_space<hbm>> -> memref<80x125xi32, #tpu.memory_space<hbm>>
      tpu.wait_dma2 semaphore(%run_scoped3A_47 : memref<!tpu.dma_semaphore, #tpu.memory_space<semaphore_mem>>) src(%dma_wait3A_63 : memref<80x125xi32, #tpu.memory_space<hbm>>) dst(%arg8 : memref<80x125xi32, #tpu.memory_space<vmem>>)
      tpu.yield
    }) : () -> ()
    %barrier3A = arith.constant 0 : index
    tpu.barrier barrier_id(%barrier3A)
    %dma_start3A = arith.constant 0 : i32
    %dma_start3A_9 = arith.constant 0 : i32
    %dma_start3A_10 = tpu.memref_slice %arg7[%dma_start3A, %dma_start3A_9] : memref<80x125xi32, #tpu.memory_space<vmem>> -> memref<1x125xi32, #tpu.memory_space<vmem>>
    %dma_start3A_11 = tpu.memref_squeeze %dma_start3A_10 : memref<1x125xi32, #tpu.memory_space<vmem>> -> memref<125xi32, #tpu.memory_space<vmem>>
    %dma_start3A_12 = arith.constant 0 : i32
    %dma_start3A_13 = arith.constant 0 : i32
    %dma_start3A_14 = tpu.memref_slice %arg11[%dma_start3A_12, %dma_start3A_13] : memref<10240x64xf32, #tpu.memory_space<vmem_shared>> -> memref<10240x64xf32, #tpu.memory_space<vmem_shared>>
    tpu.enqueue_indirect_dma source(%dma_start3A_14 : memref<10240x64xf32, #tpu.memory_space<vmem_shared>>) target(%arg9 : memref<125x64xf32, #tpu.memory_space<vmem>>) offsets(%dma_start3A_11 : memref<125xi32, #tpu.memory_space<vmem>>) semaphore(%arg13 : memref<!tpu.dma_semaphore, #tpu.memory_space<semaphore_mem>>)
    %scan3A = arith.constant 0 : i32
    %scan3A_15 = arith.constant 39 : i32
    %scan3A_16 = arith.addi %scan3A, %scan3A_15 : i32
    %scan3A_17 = arith.constant 1 : i32
    scf.for %scan3A_47 = %scan3A to %scan3A_16 step %scan3A_17  : i32 {
      %mul3A_48 = arith.constant 1 : i32
      %mul3A_49 = arith.muli %scan3A_47, %mul3A_48 : i32
      %add3A_50 = arith.constant 0 : i32
      %add3A_51 = arith.addi %add3A_50, %mul3A_49 : i32
      %mul3A_52 = arith.constant 2 : i32
      %mul3A_53 = arith.muli %mul3A_52, %add3A_51 : i32
      %add3A_54 = arith.constant 1 : i32
      %add3A_55 = arith.addi %mul3A_53, %add3A_54 : i32
      %dma_start3A_56 = arith.constant 0 : i32
      %dma_start3A_57 = tpu.memref_slice %arg7[%add3A_55, %dma_start3A_56] : memref<80x125xi32, #tpu.memory_space<vmem>> -> memref<1x125xi32, #tpu.memory_space<vmem>>
      %dma_start3A_58 = tpu.memref_squeeze %dma_start3A_57 : memref<1x125xi32, #tpu.memory_space<vmem>> -> memref<125xi32, #tpu.memory_space<vmem>>
      %dma_start3A_59 = arith.constant 0 : i32
      %dma_start3A_60 = arith.constant 0 : i32
      %dma_start3A_61 = tpu.memref_slice %arg11[%dma_start3A_59, %dma_start3A_60] : memref<10240x64xf32, #tpu.memory_space<vmem_shared>> -> memref<10240x64xf32, #tpu.memory_space<vmem_shared>>
      tpu.enqueue_indirect_dma source(%dma_start3A_61 : memref<10240x64xf32, #tpu.memory_space<vmem_shared>>) target(%arg10 : memref<125x64xf32, #tpu.memory_space<vmem>>) offsets(%dma_start3A_58 : memref<125xi32, #tpu.memory_space<vmem>>) semaphore(%arg14 : memref<!tpu.dma_semaphore, #tpu.memory_space<semaphore_mem>>)
      %dma_wait3A_62 = arith.constant 0 : i32
      %dma_wait3A_63 = arith.constant 0 : i32
      %dma_wait3A_64 = tpu.memref_slice %arg7[%dma_wait3A_62, %dma_wait3A_63] : memref<80x125xi32, #tpu.memory_space<vmem>> -> memref<1x125xi32, #tpu.memory_space<vmem>>
      %dma_wait3A_65 = tpu.memref_squeeze %dma_wait3A_64 : memref<1x125xi32, #tpu.memory_space<vmem>> -> memref<125xi32, #tpu.memory_space<vmem>>
      %dma_wait3A_66 = arith.constant 0 : i32
      %dma_wait3A_67 = arith.constant 0 : i32
      %dma_wait3A_68 = tpu.memref_slice %arg11[%dma_wait3A_66, %dma_wait3A_67] : memref<10240x64xf32, #tpu.memory_space<vmem_shared>> -> memref<10240x64xf32, #tpu.memory_space<vmem_shared>>
      tpu.wait_indirect_dma semaphore(%arg13 : memref<!tpu.dma_semaphore, #tpu.memory_space<semaphore_mem>>) src(%dma_wait3A_68 : memref<10240x64xf32, #tpu.memory_space<vmem_shared>>) dst(%arg9 : memref<125x64xf32, #tpu.memory_space<vmem>>)
      "tpu.region"() ({
        %run_scoped3A_86 = tpu.sem_alloc : memref<!tpu.dma_semaphore, #tpu.memory_space<semaphore_mem>>
        %dma_start3A_87 = arith.constant 0 : i32
        %dma_start3A_88 = tpu.memref_slice %arg8[%mul3A_53, %dma_start3A_87] : memref<80x125xi32, #tpu.memory_space<vmem>> -> memref<1x125xi32, #tpu.memory_space<vmem>>
        %dma_start3A_89 = tpu.memref_squeeze %dma_start3A_88 : memref<1x125xi32, #tpu.memory_space<vmem>> -> memref<125xi32, #tpu.memory_space<vmem>>
        %dma_start3A_90 = arith.constant 0 : i32
        %dma_start3A_91 = arith.constant 0 : i32
        %dma_start3A_92 = tpu.memref_slice %arg12[%dma_start3A_90, %dma_start3A_91] : memref<10240x64xf32, #tpu.memory_space<vmem_shared>> -> memref<10240x64xf32, #tpu.memory_space<vmem_shared>>
        tpu.enqueue_indirect_dma source(%arg9 : memref<125x64xf32, #tpu.memory_space<vmem>>) target(%dma_start3A_92 : memref<10240x64xf32, #tpu.memory_space<vmem_shared>>) offsets(%dma_start3A_89 : memref<125xi32, #tpu.memory_space<vmem>>) semaphore(%run_scoped3A_86 : memref<!tpu.dma_semaphore, #tpu.memory_space<semaphore_mem>>) {add = true}
        %dma_wait3A_93 = arith.constant 0 : i32
        %dma_wait3A_94 = tpu.memref_slice %arg8[%mul3A_53, %dma_wait3A_93] : memref<80x125xi32, #tpu.memory_space<vmem>> -> memref<1x125xi32, #tpu.memory_space<vmem>>
        %dma_wait3A_95 = tpu.memref_squeeze %dma_wait3A_94 : memref<1x125xi32, #tpu.memory_space<vmem>> -> memref<125xi32, #tpu.memory_space<vmem>>
        %dma_wait3A_96 = arith.constant 0 : i32
        %dma_wait3A_97 = arith.constant 0 : i32
        %dma_wait3A_98 = tpu.memref_slice %arg12[%dma_wait3A_96, %dma_wait3A_97] : memref<10240x64xf32, #tpu.memory_space<vmem_shared>> -> memref<10240x64xf32, #tpu.memory_space<vmem_shared>>
        tpu.wait_indirect_dma semaphore(%run_scoped3A_86 : memref<!tpu.dma_semaphore, #tpu.memory_space<semaphore_mem>>) src(%arg9 : memref<125x64xf32, #tpu.memory_space<vmem>>) dst(%dma_wait3A_98 : memref<10240x64xf32, #tpu.memory_space<vmem_shared>>)
        tpu.yield
      }) : () -> ()
      %add3A_69 = arith.constant 2 : i32
      %add3A_70 = arith.addi %mul3A_53, %add3A_69 : i32
      %dma_start3A_71 = arith.constant 0 : i32
      %dma_start3A_72 = tpu.memref_slice %arg7[%add3A_70, %dma_start3A_71] : memref<80x125xi32, #tpu.memory_space<vmem>> -> memref<1x125xi32, #tpu.memory_space<vmem>>
      %dma_start3A_73 = tpu.memref_squeeze %dma_start3A_72 : memref<1x125xi32, #tpu.memory_space<vmem>> -> memref<125xi32, #tpu.memory_space<vmem>>
      %dma_start3A_74 = arith.constant 0 : i32
      %dma_start3A_75 = arith.constant 0 : i32
      %dma_start3A_76 = tpu.memref_slice %arg11[%dma_start3A_74, %dma_start3A_75] : memref<10240x64xf32, #tpu.memory_space<vmem_shared>> -> memref<10240x64xf32, #tpu.memory_space<vmem_shared>>
      tpu.enqueue_indirect_dma source(%dma_start3A_76 : memref<10240x64xf32, #tpu.memory_space<vmem_shared>>) target(%arg9 : memref<125x64xf32, #tpu.memory_space<vmem>>) offsets(%dma_start3A_73 : memref<125xi32, #tpu.memory_space<vmem>>) semaphore(%arg13 : memref<!tpu.dma_semaphore, #tpu.memory_space<semaphore_mem>>)
      %dma_wait3A_77 = arith.constant 0 : i32
      %dma_wait3A_78 = arith.constant 0 : i32
      %dma_wait3A_79 = tpu.memref_slice %arg7[%dma_wait3A_77, %dma_wait3A_78] : memref<80x125xi32, #tpu.memory_space<vmem>> -> memref<1x125xi32, #tpu.memory_space<vmem>>
      %dma_wait3A_80 = tpu.memref_squeeze %dma_wait3A_79 : memref<1x125xi32, #tpu.memory_space<vmem>> -> memref<125xi32, #tpu.memory_space<vmem>>
      %dma_wait3A_81 = arith.constant 0 : i32
      %dma_wait3A_82 = arith.constant 0 : i32
      %dma_wait3A_83 = tpu.memref_slice %arg11[%dma_wait3A_81, %dma_wait3A_82] : memref<10240x64xf32, #tpu.memory_space<vmem_shared>> -> memref<10240x64xf32, #tpu.memory_space<vmem_shared>>
      tpu.wait_indirect_dma semaphore(%arg14 : memref<!tpu.dma_semaphore, #tpu.memory_space<semaphore_mem>>) src(%dma_wait3A_83 : memref<10240x64xf32, #tpu.memory_space<vmem_shared>>) dst(%arg10 : memref<125x64xf32, #tpu.memory_space<vmem>>)
      %add3A_84 = arith.constant 1 : i32
      %add3A_85 = arith.addi %mul3A_53, %add3A_84 : i32
      "tpu.region"() ({
        %run_scoped3A_86 = tpu.sem_alloc : memref<!tpu.dma_semaphore, #tpu.memory_space<semaphore_mem>>
        %dma_start3A_87 = arith.constant 0 : i32
        %dma_start3A_88 = tpu.memref_slice %arg8[%add3A_85, %dma_start3A_87] : memref<80x125xi32, #tpu.memory_space<vmem>> -> memref<1x125xi32, #tpu.memory_space<vmem>>
        %dma_start3A_89 = tpu.memref_squeeze %dma_start3A_88 : memref<1x125xi32, #tpu.memory_space<vmem>> -> memref<125xi32, #tpu.memory_space<vmem>>
        %dma_start3A_90 = arith.constant 0 : i32
        %dma_start3A_91 = arith.constant 0 : i32
        %dma_start3A_92 = tpu.memref_slice %arg12[%dma_start3A_90, %dma_start3A_91] : memref<10240x64xf32, #tpu.memory_space<vmem_shared>> -> memref<10240x64xf32, #tpu.memory_space<vmem_shared>>
        tpu.enqueue_indirect_dma source(%arg10 : memref<125x64xf32, #tpu.memory_space<vmem>>) target(%dma_start3A_92 : memref<10240x64xf32, #tpu.memory_space<vmem_shared>>) offsets(%dma_start3A_89 : memref<125xi32, #tpu.memory_space<vmem>>) semaphore(%run_scoped3A_86 : memref<!tpu.dma_semaphore, #tpu.memory_space<semaphore_mem>>) {add = true}
        %dma_wait3A_93 = arith.constant 0 : i32
        %dma_wait3A_94 = tpu.memref_slice %arg8[%add3A_85, %dma_wait3A_93] : memref<80x125xi32, #tpu.memory_space<vmem>> -> memref<1x125xi32, #tpu.memory_space<vmem>>
        %dma_wait3A_95 = tpu.memref_squeeze %dma_wait3A_94 : memref<1x125xi32, #tpu.memory_space<vmem>> -> memref<125xi32, #tpu.memory_space<vmem>>
        %dma_wait3A_96 = arith.constant 0 : i32
        %dma_wait3A_97 = arith.constant 0 : i32
        %dma_wait3A_98 = tpu.memref_slice %arg12[%dma_wait3A_96, %dma_wait3A_97] : memref<10240x64xf32, #tpu.memory_space<vmem_shared>> -> memref<10240x64xf32, #tpu.memory_space<vmem_shared>>
        tpu.wait_indirect_dma semaphore(%run_scoped3A_86 : memref<!tpu.dma_semaphore, #tpu.memory_space<semaphore_mem>>) src(%arg10 : memref<125x64xf32, #tpu.memory_space<vmem>>) dst(%dma_wait3A_98 : memref<10240x64xf32, #tpu.memory_space<vmem_shared>>)
        tpu.yield
      }) : () -> ()
    }
    %scan3A_18 = arith.constant 39 : i32
    %dma_start3A_19 = arith.constant 79 : i32
    %dma_start3A_20 = arith.constant 0 : i32
    %dma_start3A_21 = tpu.memref_slice %arg7[%dma_start3A_19, %dma_start3A_20] : memref<80x125xi32, #tpu.memory_space<vmem>> -> memref<1x125xi32, #tpu.memory_space<vmem>>
    %dma_start3A_22 = tpu.memref_squeeze %dma_start3A_21 : memref<1x125xi32, #tpu.memory_space<vmem>> -> memref<125xi32, #tpu.memory_space<vmem>>
    %dma_start3A_23 = arith.constant 0 : i32
    %dma_start3A_24 = arith.constant 0 : i32
    %dma_start3A_25 = tpu.memref_slice %arg11[%dma_start3A_23, %dma_start3A_24] : memref<10240x64xf32, #tpu.memory_space<vmem_shared>> -> memref<10240x64xf32, #tpu.memory_space<vmem_shared>>
    tpu.enqueue_indirect_dma source(%dma_start3A_25 : memref<10240x64xf32, #tpu.memory_space<vmem_shared>>) target(%arg10 : memref<125x64xf32, #tpu.memory_space<vmem>>) offsets(%dma_start3A_22 : memref<125xi32, #tpu.memory_space<vmem>>) semaphore(%arg14 : memref<!tpu.dma_semaphore, #tpu.memory_space<semaphore_mem>>)
    %dma_wait3A = arith.constant 0 : i32
    %dma_wait3A_26 = arith.constant 0 : i32
    %dma_wait3A_27 = tpu.memref_slice %arg7[%dma_wait3A, %dma_wait3A_26] : memref<80x125xi32, #tpu.memory_space<vmem>> -> memref<1x125xi32, #tpu.memory_space<vmem>>
    %dma_wait3A_28 = tpu.memref_squeeze %dma_wait3A_27 : memref<1x125xi32, #tpu.memory_space<vmem>> -> memref<125xi32, #tpu.memory_space<vmem>>
    %dma_wait3A_29 = arith.constant 0 : i32
    %dma_wait3A_30 = arith.constant 0 : i32
    %dma_wait3A_31 = tpu.memref_slice %arg11[%dma_wait3A_29, %dma_wait3A_30] : memref<10240x64xf32, #tpu.memory_space<vmem_shared>> -> memref<10240x64xf32, #tpu.memory_space<vmem_shared>>
    tpu.wait_indirect_dma semaphore(%arg13 : memref<!tpu.dma_semaphore, #tpu.memory_space<semaphore_mem>>) src(%dma_wait3A_31 : memref<10240x64xf32, #tpu.memory_space<vmem_shared>>) dst(%arg9 : memref<125x64xf32, #tpu.memory_space<vmem>>)
    %run_scoped3A = arith.constant 78 : i32
    "tpu.region"() ({
      %run_scoped3A_47 = tpu.sem_alloc : memref<!tpu.dma_semaphore, #tpu.memory_space<semaphore_mem>>
      %dma_start3A_48 = arith.constant 0 : i32
      %dma_start3A_49 = tpu.memref_slice %arg8[%run_scoped3A, %dma_start3A_48] : memref<80x125xi32, #tpu.memory_space<vmem>> -> memref<1x125xi32, #tpu.memory_space<vmem>>
      %dma_start3A_50 = tpu.memref_squeeze %dma_start3A_49 : memref<1x125xi32, #tpu.memory_space<vmem>> -> memref<125xi32, #tpu.memory_space<vmem>>
      %dma_start3A_51 = arith.constant 0 : i32
      %dma_start3A_52 = arith.constant 0 : i32
      %dma_start3A_53 = tpu.memref_slice %arg12[%dma_start3A_51, %dma_start3A_52] : memref<10240x64xf32, #tpu.memory_space<vmem_shared>> -> memref<10240x64xf32, #tpu.memory_space<vmem_shared>>
      tpu.enqueue_indirect_dma source(%arg9 : memref<125x64xf32, #tpu.memory_space<vmem>>) target(%dma_start3A_53 : memref<10240x64xf32, #tpu.memory_space<vmem_shared>>) offsets(%dma_start3A_50 : memref<125xi32, #tpu.memory_space<vmem>>) semaphore(%run_scoped3A_47 : memref<!tpu.dma_semaphore, #tpu.memory_space<semaphore_mem>>) {add = true}
      %dma_wait3A_54 = arith.constant 0 : i32
      %dma_wait3A_55 = tpu.memref_slice %arg8[%run_scoped3A, %dma_wait3A_54] : memref<80x125xi32, #tpu.memory_space<vmem>> -> memref<1x125xi32, #tpu.memory_space<vmem>>
      %dma_wait3A_56 = tpu.memref_squeeze %dma_wait3A_55 : memref<1x125xi32, #tpu.memory_space<vmem>> -> memref<125xi32, #tpu.memory_space<vmem>>
      %dma_wait3A_57 = arith.constant 0 : i32
      %dma_wait3A_58 = arith.constant 0 : i32
      %dma_wait3A_59 = tpu.memref_slice %arg12[%dma_wait3A_57, %dma_wait3A_58] : memref<10240x64xf32, #tpu.memory_space<vmem_shared>> -> memref<10240x64xf32, #tpu.memory_space<vmem_shared>>
      tpu.wait_indirect_dma semaphore(%run_scoped3A_47 : memref<!tpu.dma_semaphore, #tpu.memory_space<semaphore_mem>>) src(%arg9 : memref<125x64xf32, #tpu.memory_space<vmem>>) dst(%dma_wait3A_59 : memref<10240x64xf32, #tpu.memory_space<vmem_shared>>)
      tpu.yield
    }) : () -> ()
    %dma_wait3A_32 = arith.constant 0 : i32
    %dma_wait3A_33 = arith.constant 0 : i32
    %dma_wait3A_34 = tpu.memref_slice %arg7[%dma_wait3A_32, %dma_wait3A_33] : memref<80x125xi32, #tpu.memory_space<vmem>> -> memref<1x125xi32, #tpu.memory_space<vmem>>
    %dma_wait3A_35 = tpu.memref_squeeze %dma_wait3A_34 : memref<1x125xi32, #tpu.memory_space<vmem>> -> memref<125xi32, #tpu.memory_space<vmem>>
    %dma_wait3A_36 = arith.constant 0 : i32
    %dma_wait3A_37 = arith.constant 0 : i32
    %dma_wait3A_38 = tpu.memref_slice %arg11[%dma_wait3A_36, %dma_wait3A_37] : memref<10240x64xf32, #tpu.memory_space<vmem_shared>> -> memref<10240x64xf32, #tpu.memory_space<vmem_shared>>
    tpu.wait_indirect_dma semaphore(%arg14 : memref<!tpu.dma_semaphore, #tpu.memory_space<semaphore_mem>>) src(%dma_wait3A_38 : memref<10240x64xf32, #tpu.memory_space<vmem_shared>>) dst(%arg10 : memref<125x64xf32, #tpu.memory_space<vmem>>)
    %run_scoped3A_39 = arith.constant 79 : i32
    "tpu.region"() ({
      %run_scoped3A_47 = tpu.sem_alloc : memref<!tpu.dma_semaphore, #tpu.memory_space<semaphore_mem>>
      %dma_start3A_48 = arith.constant 0 : i32
      %dma_start3A_49 = tpu.memref_slice %arg8[%run_scoped3A_39, %dma_start3A_48] : memref<80x125xi32, #tpu.memory_space<vmem>> -> memref<1x125xi32, #tpu.memory_space<vmem>>
      %dma_start3A_50 = tpu.memref_squeeze %dma_start3A_49 : memref<1x125xi32, #tpu.memory_space<vmem>> -> memref<125xi32, #tpu.memory_space<vmem>>
      %dma_start3A_51 = arith.constant 0 : i32
      %dma_start3A_52 = arith.constant 0 : i32
      %dma_start3A_53 = tpu.memref_slice %arg12[%dma_start3A_51, %dma_start3A_52] : memref<10240x64xf32, #tpu.memory_space<vmem_shared>> -> memref<10240x64xf32, #tpu.memory_space<vmem_shared>>
      tpu.enqueue_indirect_dma source(%arg10 : memref<125x64xf32, #tpu.memory_space<vmem>>) target(%dma_start3A_53 : memref<10240x64xf32, #tpu.memory_space<vmem_shared>>) offsets(%dma_start3A_50 : memref<125xi32, #tpu.memory_space<vmem>>) semaphore(%run_scoped3A_47 : memref<!tpu.dma_semaphore, #tpu.memory_space<semaphore_mem>>) {add = true}
      %dma_wait3A_54 = arith.constant 0 : i32
      %dma_wait3A_55 = tpu.memref_slice %arg8[%run_scoped3A_39, %dma_wait3A_54] : memref<80x125xi32, #tpu.memory_space<vmem>> -> memref<1x125xi32, #tpu.memory_space<vmem>>
      %dma_wait3A_56 = tpu.memref_squeeze %dma_wait3A_55 : memref<1x125xi32, #tpu.memory_space<vmem>> -> memref<125xi32, #tpu.memory_space<vmem>>
      %dma_wait3A_57 = arith.constant 0 : i32
      %dma_wait3A_58 = arith.constant 0 : i32
      %dma_wait3A_59 = tpu.memref_slice %arg12[%dma_wait3A_57, %dma_wait3A_58] : memref<10240x64xf32, #tpu.memory_space<vmem_shared>> -> memref<10240x64xf32, #tpu.memory_space<vmem_shared>>
      tpu.wait_indirect_dma semaphore(%run_scoped3A_47 : memref<!tpu.dma_semaphore, #tpu.memory_space<semaphore_mem>>) src(%arg10 : memref<125x64xf32, #tpu.memory_space<vmem>>) dst(%dma_wait3A_59 : memref<10240x64xf32, #tpu.memory_space<vmem_shared>>)
      tpu.yield
    }) : () -> ()
    %barrier3A_40 = arith.constant 0 : index
    tpu.barrier barrier_id(%barrier3A_40)
    %mul3A_41 = arith.constant 640 : i32
    %mul3A_42 = arith.muli %arg1, %mul3A_41 : i32
    %mul3A_43 = arith.constant 640 : i32
    %mul3A_44 = arith.muli %arg1, %mul3A_43 : i32
    %mul3A_45 = arith.constant 64 : i32
    %mul3A_46 = arith.muli %arg0, %mul3A_45 : i32
    "tpu.region"() ({
      %run_scoped3A_47 = tpu.sem_alloc : memref<!tpu.dma_semaphore, #tpu.memory_space<semaphore_mem>>
      %dma_start3A_48 = tpu.memref_slice %arg6[%mul3A_44, %mul3A_46] : memref<10240x128xf32, #tpu.memory_space<hbm>> -> memref<640x64xf32, #tpu.memory_space<hbm>>
      %dma_start3A_49 = arith.constant 0 : i32
      %dma_start3A_50 = tpu.memref_slice %arg12[%mul3A_42, %dma_start3A_49] : memref<10240x64xf32, #tpu.memory_space<vmem_shared>> -> memref<640x64xf32, #tpu.memory_space<vmem_shared>>
      tpu.enqueue_dma source(%dma_start3A_50 : memref<640x64xf32, #tpu.memory_space<vmem_shared>>) target(%dma_start3A_48 : memref<640x64xf32, #tpu.memory_space<hbm>>) target_semaphore(%run_scoped3A_47 : memref<!tpu.dma_semaphore, #tpu.memory_space<semaphore_mem>>)
      %dma_wait3A_51 = tpu.memref_slice %arg6[%mul3A_44, %mul3A_46] : memref<10240x128xf32, #tpu.memory_space<hbm>> -> memref<640x64xf32, #tpu.memory_space<hbm>>
      %dma_wait3A_52 = arith.constant 0 : i32
      %dma_wait3A_53 = tpu.memref_slice %arg12[%mul3A_42, %dma_wait3A_52] : memref<10240x64xf32, #tpu.memory_space<vmem_shared>> -> memref<640x64xf32, #tpu.memory_space<vmem_shared>>
      tpu.wait_dma2 semaphore(%run_scoped3A_47 : memref<!tpu.dma_semaphore, #tpu.memory_space<semaphore_mem>>) src(%dma_wait3A_53 : memref<640x64xf32, #tpu.memory_space<vmem_shared>>) dst(%dma_wait3A_51 : memref<640x64xf32, #tpu.memory_space<hbm>>)
      tpu.yield
    }) : () -> ()
    return
  }
}

module attributes {stable_mosaic.version = 14 : i64} {
  func.func @_tc0_body(%arg0: i32, %arg1: memref<1024x128xf32, #tpu.memory_space<vmem>>, %arg2: memref<128x64xf32, #tpu.memory_space<vmem>>, %arg3: memref<1024x64xf32, #tpu.memory_space<vmem>>) attributes {dimension_semantics = [#tpu.dimension_semantics<arbitrary>], iteration_bounds = array<i64: 10>, scalar_prefetch = 0 : i64, scratch_operands = 0 : i64, tpu.core_type = #tpu.core_type<tc>, window_params = [{transform_indices = @transform_0, window_bounds = array<i64: 1024, 128>}, {pipeline_mode = #tpu.pipeline_mode<synchronous>, transform_indices = @transform_1, window_bounds = array<i64: 128, 64>}, {transform_indices = @transform_2, window_bounds = array<i64: 1024, 64>}]} {
    %get3A = arith.constant 0 : index
    %get3A_0 = arith.constant 0 : index
    %get3A_1 = vector.load %arg1[%get3A, %get3A_0] : memref<1024x128xf32, #tpu.memory_space<vmem>>, vector<1024x128xf32>
    %get3A_2 = arith.constant 0 : index
    %get3A_3 = arith.constant 0 : index
    %get3A_4 = vector.load %arg2[%get3A_2, %get3A_3] : memref<128x64xf32, #tpu.memory_space<vmem>>, vector<128x64xf32>
    %dot_general3A = arith.constant dense<0.000000e+00> : vector<1024x64xf32>
    %dot_general3A_5 = tpu.matmul %get3A_1, %get3A_4, %dot_general3A {dimension_numbers = #tpu.dot_dimension_numbers<[1], [0], [0], [1], [0, 0, 1, 1], [], []>, transpose_lhs_hint = false} : vector<1024x128xf32>, vector<128x64xf32>, vector<1024x64xf32> -> vector<1024x64xf32>
    %swap3A = arith.constant 0 : index
    %swap3A_6 = arith.constant 0 : index
    %swap3A_7 = vector.load %arg3[%swap3A, %swap3A_6] : memref<1024x64xf32, #tpu.memory_space<vmem>>, vector<1024x64xf32>
    tpu.vector_store %arg3[%swap3A, %swap3A_6], %dot_general3A_5 {strides = array<i32>} : memref<1024x64xf32, #tpu.memory_space<vmem>>, vector<1024x64xf32>,
    return
  }
  func.func @transform_0(%arg0: i32) -> (i32, i32) {
    %c0_i32 = arith.constant 0 : i32
    %c0_i32_0 = arith.constant 0 : i32
    return %arg0, %c0_i32 : i32, i32
  }
  func.func @transform_1(%arg0: i32) -> (i32, i32) {
    %c0_i32 = arith.constant 0 : i32
    %c0_i32_0 = arith.constant 0 : i32
    %c0_i32_1 = arith.constant 0 : i32
    return %c0_i32, %c0_i32_0 : i32, i32
  }
  func.func @transform_2(%arg0: i32) -> (i32, i32) {
    %c0_i32 = arith.constant 0 : i32
    %c0_i32_0 = arith.constant 0 : i32
    return %arg0, %c0_i32 : i32, i32
  }
}

module attributes {stable_mosaic.version = 14 : i64} {
  func.func @_tc1_body(%arg0: i32, %arg1: memref<1024x64xf32, #tpu.memory_space<vmem>>, %arg2: memref<1024x128xf32, #tpu.memory_space<vmem>>, %arg3: memref<1024x1xf32, #tpu.memory_space<vmem>>, %arg4: memref<1024x128xf32, #tpu.memory_space<vmem>>) attributes {dimension_semantics = [#tpu.dimension_semantics<arbitrary>], iteration_bounds = array<i64: 10>, scalar_prefetch = 0 : i64, scratch_operands = 0 : i64, tpu.core_type = #tpu.core_type<tc>, window_params = [{transform_indices = @transform_0, window_bounds = array<i64: 1024, 64>}, {transform_indices = @transform_1, window_bounds = array<i64: 1024, 128>}, {transform_indices = @transform_2, window_bounds = array<i64: 1024, 1>}, {transform_indices = @transform_3, window_bounds = array<i64: 1024, 128>}]} {
    %get3A = arith.constant 0 : index
    %get3A_0 = arith.constant 0 : index
    %get3A_1 = vector.load %arg2[%get3A, %get3A_0] : memref<1024x128xf32, #tpu.memory_space<vmem>>, vector<1024x1xf32>
    %get3A_2 = arith.constant 0 : index
    %get3A_3 = arith.constant 64 : index
    %get3A_4 = vector.load %arg2[%get3A_2, %get3A_3] : memref<1024x128xf32, #tpu.memory_space<vmem>>, vector<1024x1xf32>
    %add3A = arith.addf %get3A_1, %get3A_4 : vector<1024x1xf32>
    %add3A_5 = arith.constant 1.000000e+00 : f32
    %add3A_6 = vector.broadcast %add3A_5 : f32 to vector<1024x1xf32>
    %add3A_7 = arith.addf %add3A, %add3A_6 : vector<1024x1xf32>
    %sqrt3A = math.sqrt %add3A_7 : vector<1024x1xf32>
    %div3A = arith.constant 1.000000e+00 : f32
    %div3A_8 = vector.broadcast %div3A : f32 to vector<1024x1xf32>
    %div3A_9 = arith.divf %div3A_8, %sqrt3A : vector<1024x1xf32>
    %swap3A = arith.constant 0 : index
    %swap3A_10 = arith.constant 0 : index
    %swap3A_11 = vector.load %arg3[%swap3A, %swap3A_10] : memref<1024x1xf32, #tpu.memory_space<vmem>>, vector<1024x1xf32>
    tpu.vector_store %arg3[%swap3A, %swap3A_10], %div3A_9 {strides = array<i32>} : memref<1024x1xf32, #tpu.memory_space<vmem>>, vector<1024x1xf32>,
    %get3A_12 = arith.constant 0 : index
    %get3A_13 = arith.constant 0 : index
    %get3A_14 = vector.load %arg1[%get3A_12, %get3A_13] : memref<1024x64xf32, #tpu.memory_space<vmem>>, vector<1024x64xf32>
    %mul3A = vector.broadcast %div3A_9 : vector<1024x1xf32> to vector<1024x64xf32>
    %mul3A_15 = arith.mulf %get3A_14, %mul3A : vector<1024x64xf32>
    %broadcast_in_dim3A = arith.constant 0.000000e+00 : f32
    %broadcast_in_dim3A_16 = vector.broadcast %broadcast_in_dim3A : f32 to vector<1024x64xf32>
    %concatenate3A = tpu.concatenate %mul3A_15, %broadcast_in_dim3A_16 in 1 : vector<1024x64xf32>, vector<1024x64xf32> -> vector<1024x128xf32>
    %swap3A_17 = arith.constant 0 : index
    %swap3A_18 = arith.constant 0 : index
    %swap3A_19 = vector.load %arg4[%swap3A_17, %swap3A_18] : memref<1024x128xf32, #tpu.memory_space<vmem>>, vector<1024x128xf32>
    tpu.vector_store %arg4[%swap3A_17, %swap3A_18], %concatenate3A {strides = array<i32>} : memref<1024x128xf32, #tpu.memory_space<vmem>>, vector<1024x128xf32>,
    return
  }
  func.func @transform_0(%arg0: i32) -> (i32, i32) {
    %c0_i32 = arith.constant 0 : i32
    %c0_i32_0 = arith.constant 0 : i32
    return %arg0, %c0_i32 : i32, i32
  }
  func.func @transform_1(%arg0: i32) -> (i32, i32) {
    %c0_i32 = arith.constant 0 : i32
    %c0_i32_0 = arith.constant 0 : i32
    return %arg0, %c0_i32 : i32, i32
  }
  func.func @transform_2(%arg0: i32) -> (i32, i32) {
    %c0_i32 = arith.constant 0 : i32
    %c0_i32_0 = arith.constant 0 : i32
    return %arg0, %c0_i32 : i32, i32
  }
  func.func @transform_3(%arg0: i32) -> (i32, i32) {
    %c0_i32 = arith.constant 0 : i32
    %c0_i32_0 = arith.constant 0 : i32
    return %arg0, %c0_i32 : i32, i32
  }
}

module attributes {stable_mosaic.version = 14 : i64} {
  func.func @_tc2_body(%arg0: i32, %arg1: memref<1024x128xf32, #tpu.memory_space<vmem>>, %arg2: memref<1024x128xf32, #tpu.memory_space<vmem>>, %arg3: memref<1024x1xf32, #tpu.memory_space<vmem>>, %arg4: memref<1x64xf32, #tpu.memory_space<vmem>>, %arg5: memref<64x128xf32, #tpu.memory_space<vmem>>, %arg6: memref<1024x128xf32, #tpu.memory_space<vmem>>) attributes {dimension_semantics = [#tpu.dimension_semantics<arbitrary>], iteration_bounds = array<i64: 10>, scalar_prefetch = 0 : i64, scratch_operands = 0 : i64, tpu.core_type = #tpu.core_type<tc>, window_params = [{transform_indices = @transform_0, window_bounds = array<i64: 1024, 128>}, {transform_indices = @transform_1, window_bounds = array<i64: 1024, 128>}, {transform_indices = @transform_2, window_bounds = array<i64: 1024, 1>}, {pipeline_mode = #tpu.pipeline_mode<synchronous>, transform_indices = @transform_3, window_bounds = array<i64: 1, 64>}, {pipeline_mode = #tpu.pipeline_mode<synchronous>, transform_indices = @transform_4, window_bounds = array<i64: 64, 128>}, {transform_indices = @transform_5, window_bounds = array<i64: 1024, 128>}]} {
    %get3A = arith.constant 0 : index
    %get3A_0 = arith.constant 0 : index
    %get3A_1 = vector.load %arg3[%get3A, %get3A_0] : memref<1024x1xf32, #tpu.memory_space<vmem>>, vector<1024x1xf32>
    %get3A_2 = arith.constant 0 : index
    %get3A_3 = arith.constant 0 : index
    %get3A_4 = vector.load %arg2[%get3A_2, %get3A_3] : memref<1024x128xf32, #tpu.memory_space<vmem>>, vector<1024x128xf32>
    %slice3A = vector.extract_strided_slice %get3A_4 {offsets = [0, 0], sizes = [1024, 64], strides = [1, 1]} : vector<1024x128xf32> to vector<1024x64xf32>
    %slice3A_5 = vector.extract_strided_slice %get3A_4 {offsets = [0, 64], sizes = [1024, 64], strides = [1, 1]} : vector<1024x128xf32> to vector<1024x64xf32>
    %add3A = arith.addf %slice3A, %slice3A_5 : vector<1024x64xf32>
    %get3A_6 = arith.constant 0 : index
    %get3A_7 = arith.constant 0 : index
    %get3A_8 = vector.load %arg1[%get3A_6, %get3A_7] : memref<1024x128xf32, #tpu.memory_space<vmem>>, vector<1024x64xf32>
    %add3A_9 = arith.addf %add3A, %get3A_8 : vector<1024x64xf32>
    %mul3A = vector.broadcast %get3A_1 : vector<1024x1xf32> to vector<1024x64xf32>
    %mul3A_10 = arith.mulf %mul3A, %add3A_9 : vector<1024x64xf32>
    %get3A_11 = arith.constant 0 : index
    %get3A_12 = arith.constant 0 : index
    %get3A_13 = vector.load %arg4[%get3A_11, %get3A_12] : memref<1x64xf32, #tpu.memory_space<vmem>>, vector<1x64xf32>
    %add3A_14 = vector.broadcast %get3A_13 : vector<1x64xf32> to vector<1024x64xf32>
    %add3A_15 = arith.addf %mul3A_10, %add3A_14 : vector<1024x64xf32>
    %max3A = arith.constant 0.000000e+00 : f32
    %max3A_16 = vector.broadcast %max3A : f32 to vector<1024x64xf32>
    %max3A_17 = arith.maximumf %add3A_15, %max3A_16 : vector<1024x64xf32>
    %get3A_18 = arith.constant 0 : index
    %get3A_19 = arith.constant 0 : index
    %get3A_20 = vector.load %arg5[%get3A_18, %get3A_19] : memref<64x128xf32, #tpu.memory_space<vmem>>, vector<64x128xf32>
    %dot_general3A = arith.constant dense<0.000000e+00> : vector<1024x128xf32>
    %dot_general3A_21 = tpu.matmul %max3A_17, %get3A_20, %dot_general3A {dimension_numbers = #tpu.dot_dimension_numbers<[1], [0], [0], [1], [0, 0, 1, 1], [], []>, transpose_lhs_hint = false} : vector<1024x64xf32>, vector<64x128xf32>, vector<1024x128xf32> -> vector<1024x128xf32>
    %mul3A_22 = vector.broadcast %get3A_1 : vector<1024x1xf32> to vector<1024x128xf32>
    %mul3A_23 = arith.mulf %dot_general3A_21, %mul3A_22 : vector<1024x128xf32>
    %swap3A = arith.constant 0 : index
    %swap3A_24 = arith.constant 0 : index
    %swap3A_25 = vector.load %arg6[%swap3A, %swap3A_24] : memref<1024x128xf32, #tpu.memory_space<vmem>>, vector<1024x128xf32>
    tpu.vector_store %arg6[%swap3A, %swap3A_24], %mul3A_23 {strides = array<i32>} : memref<1024x128xf32, #tpu.memory_space<vmem>>, vector<1024x128xf32>,
    return
  }
  func.func @transform_0(%arg0: i32) -> (i32, i32) {
    %c0_i32 = arith.constant 0 : i32
    %c0_i32_0 = arith.constant 0 : i32
    return %arg0, %c0_i32 : i32, i32
  }
  func.func @transform_1(%arg0: i32) -> (i32, i32) {
    %c0_i32 = arith.constant 0 : i32
    %c0_i32_0 = arith.constant 0 : i32
    return %arg0, %c0_i32 : i32, i32
  }
  func.func @transform_2(%arg0: i32) -> (i32, i32) {
    %c0_i32 = arith.constant 0 : i32
    %c0_i32_0 = arith.constant 0 : i32
    return %arg0, %c0_i32 : i32, i32
  }
  func.func @transform_3(%arg0: i32) -> (i32, i32) {
    %c0_i32 = arith.constant 0 : i32
    %c0_i32_0 = arith.constant 0 : i32
    %c0_i32_1 = arith.constant 0 : i32
    return %c0_i32, %c0_i32_0 : i32, i32
  }
  func.func @transform_4(%arg0: i32) -> (i32, i32) {
    %c0_i32 = arith.constant 0 : i32
    %c0_i32_0 = arith.constant 0 : i32
    %c0_i32_1 = arith.constant 0 : i32
    return %c0_i32, %c0_i32_0 : i32, i32
  }
  func.func @transform_5(%arg0: i32) -> (i32, i32) {
    %c0_i32 = arith.constant 0 : i32
    %c0_i32_0 = arith.constant 0 : i32
    return %arg0, %c0_i32 : i32, i32
  }
}

module attributes {stable_mosaic.version = 14 : i64} {
  func.func @_tc3_body(%arg0: i32, %arg1: memref<1024x128xf32, #tpu.memory_space<vmem>>, %arg2: memref<1024x128xf32, #tpu.memory_space<vmem>>, %arg3: memref<1024x1xf32, #tpu.memory_space<vmem>>, %arg4: memref<1x40xf32, #tpu.memory_space<vmem>>, %arg5: memref<1024x40xf32, #tpu.memory_space<vmem>>) attributes {dimension_semantics = [#tpu.dimension_semantics<arbitrary>], iteration_bounds = array<i64: 10>, scalar_prefetch = 0 : i64, scratch_operands = 0 : i64, tpu.core_type = #tpu.core_type<tc>, window_params = [{transform_indices = @transform_0, window_bounds = array<i64: 1024, 128>}, {transform_indices = @transform_1, window_bounds = array<i64: 1024, 128>}, {transform_indices = @transform_2, window_bounds = array<i64: 1024, 1>}, {pipeline_mode = #tpu.pipeline_mode<synchronous>, transform_indices = @transform_3, window_bounds = array<i64: 1, 40>}, {transform_indices = @transform_4, window_bounds = array<i64: 1024, 40>}]} {
    %get3A = arith.constant 0 : index
    %get3A_0 = arith.constant 0 : index
    %get3A_1 = vector.load %arg2[%get3A, %get3A_0] : memref<1024x128xf32, #tpu.memory_space<vmem>>, vector<1024x128xf32>
    %get3A_2 = arith.constant 0 : index
    %get3A_3 = arith.constant 0 : index
    %get3A_4 = vector.load %arg3[%get3A_2, %get3A_3] : memref<1024x1xf32, #tpu.memory_space<vmem>>, vector<1024x1xf32>
    %slice3A = vector.extract_strided_slice %get3A_1 {offsets = [0, 0], sizes = [1024, 40], strides = [1, 1]} : vector<1024x128xf32> to vector<1024x40xf32>
    %slice3A_5 = vector.extract_strided_slice %get3A_1 {offsets = [0, 64], sizes = [1024, 40], strides = [1, 1]} : vector<1024x128xf32> to vector<1024x40xf32>
    %add3A = arith.addf %slice3A, %slice3A_5 : vector<1024x40xf32>
    %get3A_6 = arith.constant 0 : index
    %get3A_7 = arith.constant 0 : index
    %get3A_8 = vector.load %arg1[%get3A_6, %get3A_7] : memref<1024x128xf32, #tpu.memory_space<vmem>>, vector<1024x40xf32>
    %add3A_9 = arith.addf %add3A, %get3A_8 : vector<1024x40xf32>
    %mul3A = vector.broadcast %get3A_4 : vector<1024x1xf32> to vector<1024x40xf32>
    %mul3A_10 = arith.mulf %mul3A, %add3A_9 : vector<1024x40xf32>
    %get3A_11 = arith.constant 0 : index
    %get3A_12 = arith.constant 0 : index
    %get3A_13 = vector.load %arg4[%get3A_11, %get3A_12] : memref<1x40xf32, #tpu.memory_space<vmem>>, vector<1x40xf32>
    %add3A_14 = vector.broadcast %get3A_13 : vector<1x40xf32> to vector<1024x40xf32>
    %add3A_15 = arith.addf %mul3A_10, %add3A_14 : vector<1024x40xf32>
    %reduce_max3A = arith.constant dense<0xFF800000> : vector<1024xf32>
    %reduce_max3A_16 = vector.multi_reduction <maximumf>, %add3A_15, %reduce_max3A [1] : vector<1024x40xf32> to vector<1024xf32>
    %broadcast_in_dim3A = vector.shape_cast %reduce_max3A_16 : vector<1024xf32> to vector<1024x1xf32>
    %sub3A = vector.broadcast %broadcast_in_dim3A : vector<1024x1xf32> to vector<1024x40xf32>
    %sub3A_17 = arith.subf %add3A_15, %sub3A : vector<1024x40xf32>
    %exp3A = math.exp %sub3A_17 : vector<1024x40xf32>
    %reduce_sum3A = arith.constant dense<0.000000e+00> : vector<1024xf32>
    %reduce_sum3A_18 = vector.multi_reduction <add>, %exp3A, %reduce_sum3A [1] : vector<1024x40xf32> to vector<1024xf32>
    %broadcast_in_dim3A_19 = vector.shape_cast %reduce_sum3A_18 : vector<1024xf32> to vector<1024x1xf32>
    %sub3A_20 = vector.broadcast %broadcast_in_dim3A : vector<1024x1xf32> to vector<1024x40xf32>
    %sub3A_21 = arith.subf %add3A_15, %sub3A_20 : vector<1024x40xf32>
    %log3A = math.log %broadcast_in_dim3A_19 : vector<1024x1xf32>
    %sub3A_22 = vector.broadcast %log3A : vector<1024x1xf32> to vector<1024x40xf32>
    %sub3A_23 = arith.subf %sub3A_21, %sub3A_22 : vector<1024x40xf32>
    %swap3A = arith.constant 0 : index
    %swap3A_24 = arith.constant 0 : index
    %swap3A_25 = vector.load %arg5[%swap3A, %swap3A_24] : memref<1024x40xf32, #tpu.memory_space<vmem>>, vector<1024x40xf32>
    tpu.vector_store %arg5[%swap3A, %swap3A_24], %sub3A_23 {strides = array<i32>} : memref<1024x40xf32, #tpu.memory_space<vmem>>, vector<1024x40xf32>,
    return
  }
  func.func @transform_0(%arg0: i32) -> (i32, i32) {
    %c0_i32 = arith.constant 0 : i32
    %c0_i32_0 = arith.constant 0 : i32
    return %arg0, %c0_i32 : i32, i32
  }
  func.func @transform_1(%arg0: i32) -> (i32, i32) {
    %c0_i32 = arith.constant 0 : i32
    %c0_i32_0 = arith.constant 0 : i32
    return %arg0, %c0_i32 : i32, i32
  }
  func.func @transform_2(%arg0: i32) -> (i32, i32) {
    %c0_i32 = arith.constant 0 : i32
    %c0_i32_0 = arith.constant 0 : i32
    return %arg0, %c0_i32 : i32, i32
  }
  func.func @transform_3(%arg0: i32) -> (i32, i32) {
    %c0_i32 = arith.constant 0 : i32
    %c0_i32_0 = arith.constant 0 : i32
    %c0_i32_1 = arith.constant 0 : i32
    return %c0_i32, %c0_i32_0 : i32, i32
  }
  func.func @transform_4(%arg0: i32) -> (i32, i32) {
    %c0_i32 = arith.constant 0 : i32
    %c0_i32_0 = arith.constant 0 : i32
    return %arg0, %c0_i32 : i32, i32
  }
}

</mosaic_0001>

<sc_bundles>
// kernel: sc_gcn_agg_40.3.cloned.1.call-start
scs
__scs_entry_jumppad:
0x0: {  	(pc) =	sbr.rel $0x88, $3  }
0x1: {  	(tag) =	ssettag $0x0;
	lr =	simm.s32 $0x1  }
0x2: {  	[smem:$0x3F9B] =	sst lr;
	_ =	strace $0xD0000000  }
0x3: {  	_ = 	snop  }
0x4: {  	_ = 	snop  }
0x5: {  	_ = 	snop  }
0x6: {  	_ = 	snop  }
0x7: {  	_ = 	snop  }
__scs_overlays_trampoline_lowered:
0x8: {  	[smem:$0x3FAA] =	sst s0  }
0x9: {  	[smem:$0x3FAB] =	sst s1  }
0xa: {  	[smem:$0x3FAC] =	sst s2  }
0xb: {  	[smem:$0x3FAD] =	sst s3  }
0xc: {  	[smem:$0x3FAE] =	sst s4  }
0xd: {  	[smem:$0x3FAF] =	sst s5  }
0xe: {  	[smem:$0x3FB0] =	sst s6  }
0xf: {  	[smem:$0x3FB1] =	sst s7  }
0x10: {  	[smem:$0x3FB2] =	sst s8  }
0x11: {  	[smem:$0x3FB3] =	sst s9;
	s0 =	simm.s32 @!p0 $0x0  }
0x12: {  	s1 =	sld [smem:$0x3F99];
	s0 =	simm.s32 @p0 $0x1  }
0x13: {  	[smem:$0x3FB4] =	sst s0;
	s0 =	simm.s32 @!p1 $0x0  }
0x14: {  	s2 =	sld [smem:$0x3F98];
	s0 =	simm.s32 @p1 $0x1  }
0x15: {  	[smem:$0x3FB5] =	sst s0;
	s0 =	simm.s32 @!p2 $0x0  }
0x16: {  	s3 =	sld [smem:$0x3FDB];
	s0 =	simm.s32 @p2 $0x1  }
0x17: {  	s4 =	simm.s32 $0x1BF5;
	[smem:$0x3FB7] =	sst s0  }
0x18: {  	s0 =	sld [smem:$0x3F9A];
	_ =	swait.ge [sflag:s4], $0x0  }
0x19: {  	s7 =	sld [smem:$0x3F9B]  }
0x1a: {  	s8 =	sadd.s32 $0xFFFFE003, lr  }
0x1b: {  	s9 =	sadd.s32 $0xFFFFFEF7, lr;
	s5 =	simm.s32 $0xFFFFFFFF;
	p2 =	slt.u32 s8, $0xFFFFF086  }
0x1c: {  	p1 =	slt.u32 s9, $0xF7A;
	s5 =	simm.s32 @!p2 $0x0  }
0x1d: {  	s5 =	simm.s32 @p1 $0x1;
	p0 =	seq.s32 s7, s2  }
0x1e: {  	s7 =	smul.u32 @!p0 $0xF7A, s2;
	p2 =	seq.s32 @!p0 s5, $0x0  }
0x1f: {  	s9 =	smul.u32 $0xF7A, s1;
	s8 =	simm.s32 @!p0 $0x1BF5;
	p2 =	por !p2, p0  }
0x20: {  	[sflag:s8] =	ssyncset.s32 @!p0 $0xFFFFF086;
	s6 =	sadd.s32 @!p0 s3, s7;
	s7 =	simm.s32 @!p0 $0x108  }
0x21: {  	s3 =	sadd.s32 s3, s9;
	s6 =	sadd.s32 @!p0 $0x88, s6;
	s7 =	simm.s32 @p2 $0x1082  }
0x22: {  	[simem:s7], [sflag:s8] =	dma.local @!p0 [hbm:s6], $0xF7A  }
0x23: {  	s9 =	sor.u32 $0xD0000000, s2;
	s6 =	simm.s32 $0x108;
	_ =	swait.ge @!p0 [sflag:s8], $0x0  }
0x24: {  	s3 =	sadd.s32 $0x88, s3;
	s6 =	simm.s32 @!p1 $0x1082;
	[sflag:s4] =	ssyncset.s32 $0xFFFFF086  }
0x25: {  	[simem:s6], [sflag:s4] =	dma.local [hbm:s3], $0xF7A  }
0x26: {  	[smem:$0x3F9B] =	sst s1;
	(tag) =	ssettag s2;
	_ =	strace s9  }
0x27: {  	s1 =	sld [smem:$0x3FAB]  }
0x28: {  	s2 =	sld [smem:$0x3FAC]  }
0x29: {  	s4 =	sld [smem:$0x3FAE]  }
0x2a: {  	p0 =	seq.s32 s5, $0x0;
	s5 =	sld [smem:$0x3FAF]  }
0x2b: {  	s6 =	sld [smem:$0x3FB0]  }
0x2c: {  	s7 =	sld [smem:$0x3FB1]  }
0x2d: {  	s3 =	simm.s32 $0x108;
	s8 =	sld [smem:$0x3FB2]  }
0x2e: {  	s3 =	simm.s32 @!p0 $0x1082;
	s9 =	sld [smem:$0x3FB3]  }
0x2f: {  	lr =	sadd.s32 s0, s3;
	s0 =	sld [smem:$0x3FAA]  }
0x30: {  	s3 =	sld [smem:$0x3FAD]  }
0x31: {  	[smem:$0x3FB6] =	sst s10  }
0x32: {  	s10 =	sld [smem:$0x3FB4];
	_ =	sdelay $0x3  }
0x33: {  	p0 =	seq.s32 s10, $0x1;
	s10 =	sld [smem:$0x3FB6];
	_ =	sdelay $0x3  }
0x34: {  	[smem:$0x3FB6] =	sst s10  }
0x35: {  	s10 =	sld [smem:$0x3FB5];
	_ =	sdelay $0x3  }
0x36: {  	p1 =	seq.s32 s10, $0x1;
	s10 =	sld [smem:$0x3FB6];
	_ =	sdelay $0x3  }
0x37: {  	[smem:$0x3FB6] =	sst s10  }
0x38: {  	s10 =	sld [smem:$0x3FB7]  }
0x39: {  	_ = 	snop;
	(pc) =	sbr.ind lr, $3  }
0x3a: {  	_ = 	snop  }
0x3b: {  	_ = 	snop  }
0x3c: {  	p2 =	seq.s32 s10, $0x1;
	s10 =	sld [smem:$0x3FB6]  }
0x3d: {  	_ =	shalt  }
0x3e: {  	_ =	shalt  }
0x3f: {  	_ =	shalt  }
0x40: {  	_ =	shalt  }
0x41: {  	_ =	shalt  }
0x42: {  	_ =	shalt  }
0x43: {  	_ =	shalt  }
0x44: {  	_ =	shalt  }
0x45: {  	_ =	shalt  }
0x46: {  	_ =	shalt  }
0x47: {  	_ =	shalt  }
0x48: {  	_ =	shalt  }
0x49: {  	_ =	shalt  }
0x4a: {  	_ =	shalt  }
0x4b: {  	_ =	shalt  }
0x4c: {  	_ =	shalt  }
0x4d: {  	_ =	shalt  }
0x4e: {  	_ =	shalt  }
0x4f: {  	_ =	shalt  }
0x50: {  	_ =	shalt  }
0x51: {  	_ =	shalt  }
0x52: {  	_ =	shalt  }
0x53: {  	_ =	shalt  }
0x54: {  	_ =	shalt  }
0x55: {  	_ =	shalt  }
0x56: {  	_ =	shalt  }
0x57: {  	_ =	shalt  }
0x58: {  	_ =	shalt  }
0x59: {  	_ =	shalt  }
0x5a: {  	_ =	shalt  }
0x5b: {  	_ =	shalt  }
0x5c: {  	_ =	shalt  }
0x5d: {  	_ =	shalt  }
0x5e: {  	_ =	shalt  }
0x5f: {  	_ =	shalt  }
0x60: {  	_ =	shalt  }
0x61: {  	_ =	shalt  }
0x62: {  	_ =	shalt  }
0x63: {  	_ =	shalt  }
0x64: {  	_ =	shalt  }
0x65: {  	_ =	shalt  }
0x66: {  	_ =	shalt  }
0x67: {  	_ =	shalt  }
0x68: {  	_ =	shalt  }
0x69: {  	_ =	shalt  }
0x6a: {  	_ =	shalt  }
0x6b: {  	_ =	shalt  }
0x6c: {  	_ =	shalt  }
0x6d: {  	_ =	shalt  }
0x6e: {  	_ =	shalt  }
0x6f: {  	_ =	shalt  }
0x70: {  	_ =	shalt  }
0x71: {  	_ =	shalt  }
0x72: {  	_ =	shalt  }
0x73: {  	_ =	shalt  }
0x74: {  	_ =	shalt  }
0x75: {  	_ =	shalt  }
0x76: {  	_ =	shalt  }
0x77: {  	_ =	shalt  }
0x78: {  	_ =	shalt  }
0x79: {  	_ =	shalt  }
0x7a: {  	_ =	shalt  }
0x7b: {  	_ =	shalt  }
0x7c: {  	_ =	shalt  }
0x7d: {  	_ =	shalt  }
0x7e: {  	_ =	shalt  }
0x7f: {  	_ =	shalt  }
0x80: {  	_ =	shalt  }
0x81: {  	_ =	shalt  }
0x82: {  	_ =	shalt  }
0x83: {  	_ =	shalt  }
0x84: {  	_ =	shalt  }
0x85: {  	_ =	shalt  }
0x86: {  	_ =	shalt  }
0x87: {  	_ =	shalt  }
.Lfunc_end0:
.L_simem_size_0:
called_computation.2_lowered:
.L_overlay_start_0:
0x88: {  	s2 =	sld [smem:$0x3FD9]  }
0x89: {  	s3 =	sld [smem:$0x3FFE];
	_ =	sdelay $0x1  }
0x8a: {  	s1 =	srdreg.scid  }
0x8b: {  	s0 =	sand.u32 $0x1, s1  }
0x8c: {  	s17 =	sshll.u32 s0, $0xA;
	s2 =	sadd.s32 s3, s2  }
0x8d: {  	s2 =	sadd.s32 s2, s17  }
0x8e: {  	[smem:$0x3FC2] =	sst s2  }
0x8f: {  	_ = 	snop  }
0x90: {  	s2 =	sld [smem:$0x3FD0];
	(tm) =	ssettm $0x1  }
0x91: {  	s18 =	sld [smem:$0x3FFB];
	_ =	sdelay $0x3  }
0x92: {  	_ =	strace s18  }
0x93: {  	s3 =	sld [smem:$0x3FFC];
	_ =	sdelay $0x3  }
0x94: {  	_ =	strace s3  }
0x95: {  	s3 =	sld [smem:$0x3FFD];
	_ =	sdelay $0x3  }
0x96: {  	_ =	strace s3  }
0x97: {  	_ =	strace $0x8FFFFFFF  }
0x98: {  	s19 =	sld [smem:$0x3FDB];
	_ =	sdelay $0x1  }
0x99: {  	s4 =	simm.s32 $_scs_section_size  }
0x9a: {  	s5 =	simm.s32 $_size__tile_overlayer_lowered;
	s6 =	simm.s32 $_tile_overlayer_lowered  }
0x9b: {  	s22 =	simm.s32 $0x1BFF;
	s21 =	sshll.u32 s6, $0x1;
	s3 =	sadd.s32 s4, s19  }
0x9c: {  	s7 =	simm.s32 $0x0;
	s20 =	sshll.u32 s5, $0x1;
	s5 =	sadd.s32 s21, s3  }
0x9d: {  	[timem:s7], [sflag:s22] =	dma.local [hbm:s5], s20  }
0x9e: {  	_ =	swait.ge [sflag:s22], s20  }
0x9f: {  	s4 =	ssub.s32 $0x0, s20;
	[sflag:s22] =	ssyncset.done $0x0  }
0xa0: {  	[sflag:s22] =	ssyncadd.s32 s4;
	_ =	sdelay $0x1  }
0xa1: {  	s23 =	simm.s32 $0x1B8B  }
0xa2: {  	_ =	swait.ge [sflag:s23], $0x1  }
0xa3: {  	[sflag:s23] =	ssyncset.done $0x0  }
0xa4: {  	s25 =	simm.s32 $0x1B8E;
	s24 =	sld [smem:$0x3FFE];
	[sflag:s23] =	ssyncadd.s32 $0xFFFFFFFF  }
0xa5: {  	s26 =	simm.s32 $execute0_lowered;
	[smem:$0x3FD2] =	sst s25  }
0xa6: {  	s5 =	sshll.u32 s26, $0x1;
	_ =	strace $0x8000004C;
	[dreg:$0x1] =	wrdreg $0xFFFFFFFF  }
0xa7: {  	s28 =	simm.s32 $_size_execute0_lowered;
	s3 =	sadd.s32 s3, s5;
	[dreg:$0x0] =	wrdreg $0x0  }
0xa8: {  	s5 =	sshll.u32 s28, $0x1;
	[dreg:$0x2] =	wrdreg s3  }
0xa9: {  	[dreg:$0x3] =	wrdreg s5  }
0xaa: {  	[dreg:$0x4] =	wrdreg $0xC0  }
0xab: {  	_ =	task [dreg:s7], $0x5FFFF  }
0xac: {  	[dreg:$0x1] =	wrdreg $0xFFFFFFFF  }
0xad: {  	[dreg:$0x0] =	wrdreg $0x60  }
0xae: {  	[dreg:$0x2] =	wrdreg s24  }
0xaf: {  	[dreg:$0x3] =	wrdreg s2  }
0xb0: {  	[dreg:$0x4] =	wrdreg $0xDB100  }
0xb1: {  	[dreg:$0x5] =	wrdreg $0x77100  }
0xb2: {  	[dreg:$0x6] =	wrdreg $0x9  }
0xb3: {  	_ =	task.clear_ibuf [dreg:s7], $0x7FFFF;
	_ =	strace $0x9000004C  }
0xb4: {  	s29 =	simm.s32 $0x9;
	_ =	strace $0x8000004E  }
0xb5: {  	_ =	swait.ge [sflag:s29], $0x1  }
0xb6: {  	[sflag:s29] =	ssyncadd.s32 $0xFFFFFFFF  }
0xb7: {  	_ =	strace $0x9000004E  }
0xb8: {  	_ =	sfence  }
0xb9: {  	s30 =	sld [smem:$0x0];
	_ =	sdelay $0x2  }
0xba: {  	s31 =	sshll.u32 s1, $0xD;
	s1 =	sshrl.u32 s1, $0x2  }
0xbb: {  	s3 =	sand.u32 $0x4000, s31;
	s1 =	sadd.s32 s1, s30  }
0xbc: {  	s0 =	sor.u32 s3, s0;
	s1 =	sshll.u32 s1, $0x11  }
0xbd: {  	s0 =	sor.u32 s1, s0  }
0xbe: {  	s0 =	sadd.s32 $0x8F2B, s0  }
0xbf: {  	[sflag:s0] =	ssyncadd.remote.s32 $0x1  }
0xc0: {  	_ =	sfence.sel $0xFFFF  }
0xc1: {  	[dreg:$0x0] =	wrdreg $0xFFFFFFFF;
	(pc) =	sbr.abs _section_cstart, $3  }
0xc2: {  	[dreg:$0x1] =	wrdreg $0xFFFFFFFF  }
0xc3: {  	_ =	task.clear_ibuf [dreg:s7], $0x2FFFF;
	_ =	strace $0x9FFFFFFF  }
0xc4: {  	(tm) =	ssettm $0x7FFFFFFF  }
0xc5: {  	_ =	shalt  }
tec
execute0_lowered:
.L_overlay_start_1:
0x0: {  	(tag) =	ssettag $0x1  }
0x1: {  	s5 =	rddreg [dreg:$0x0]  }
0x2: {  	s9 =	rddreg [dreg:$0x1]  }
0x3: {  	s1 =	rddreg [dreg:$0x2];
	s0 =	srdreg.scid  }
0x4: {  	s3 =	rddreg [dreg:$0x3];
	s2 =	stileid.u32;
	s4 =	simm.s32 $0x0  }
0x5: {  	s18 =	simm.s32 $0x2800;
	s19 =	simm.s32 $0x7D;
	s20 =	simm.s32 $0x5000  }
0x6: {  	s21 =	simm.s32 $0x6388;
	s22 =	simm.s32 $0x2;
	s23 =	simm.s32 $0x2780  }
0x7: {  	s24 =	simm.s32 $0x4F00;
	s25 =	simm.s32 $0x4F80;
	s26 =	simm.s32 $0x0  }
0x8: {  	s6 =	sand.u32 $0x1, s0;
	s8 =	smul.u32 $0x14000, s2;
	[smem:$0x7FF] =	sst s4  }
0x9: {  	s11 =	smul.u32 $0x6400, s2;
	s31 =	sshll.u32 s2, $0x6;
	s7 =	sshll.u32 s6, $0x4  }
0xa: {  	_ =	strace $0x8000004D;
	s13 =	sshll.u32 s6, $0x6;
	s6 =	ssub.s32 $0x2, s6  }
0xb: {  	s7 =	sor.u32 s2, s7;
	s28 =	sshrl.u32 s8, $0x3;
	s14 =	sshrl.u32 s11, $0x3  }
0xc: {  	s8 =	sor.u32 s13, s8;
	s30 =	sshrl.u32 s6, $0x1;
	s16 =	sadd.s32 s11, s1  }
0xd: {  	s17 =	sadd.s32 s11, s3;
	s13 =	simm.s32 $0x3;
	s10 =	smul.u32 $0x500, s7  }
0xe: {  	s7 =	sadd.s32 s28, s5;
	s29 =	sadd.s32 s14, s5;
	s8 =	sshrl.u32 s8, $0x3  }
0xf: {  	s14 =	ssub.s32 s6, s30;
	s6 =	sor.u32 $0x1C03, s31;
	s15 =	sadd.s32 s8, s5  }
0x10: {  	s7 =	sadd.s32 $0x3000, s7;
	s11 =	smax.u32 s14, $0x1;
	s14 =	sshrl.u32 s17, $0x3  }
0x11: {  	s17 =	simm.s32 $0x10;
	s12 =	sadd.s32 s10, s5;
	s5 =	sadd.s32 $0x37A00, s29  }
0x12: {  	s9 =	sadd.s32 s9, s10;
	s10 =	sadd.s32 $0x44200, s15;
	s15 =	simm.s32 $0x1  }
0x13: {  	s8 =	sadd.s32 $0x2DA00, s12;
	s12 =	sshrl.u32 s16, $0x3;
	s16 =	simm.s32 $0x5  }
.LBB2_1:
0x14: {  	[spmem:s12], [sflag:s6] =	dma.local [hbm:s5], $0xC80  }
0x15: {  	_ =	swait.ge [sflag:s13], $0xC80  }
0x16: {  	[sflag:s13] =	ssyncset.done $0x0  }
0x17: {  	[sflag:s13] =	ssyncadd.s32 $0xFFFFF380  }
0x18: {  	[spmem:s14@s16], [sflag:s6] =	dma.strided [hbm:s7@s17], $0xC80, s15, $0x5   }
0x19: {  	_ =	swait.ge [sflag:s13], $0xC80  }
0x1a: {  	[sflag:s13] =	ssyncset.done $0x0  }
0x1b: {  	[sflag:s13] =	ssyncadd.s32 $0xFFFFF380  }
0x1c: {  	[tilespmem:s4], [sflag:$0x3] =	stream.linear.gather [hbm4b:s8+s4], $0x2800, $0x38;
	[tilespmem:$0x13F10] =	vst v63  }
0x1d: {  	_ =	swait.ge [sflag:s13], $0x2800  }
0x1e: {  	[sflag:s13] =	ssyncset.done $0x0  }
0x1f: {  	[sflag:s13] =	ssyncadd.s32 $0xFFFFD800  }
0x20: {  	[tilespmem:s18], [sflag:$0x3] =	stream.linear.gather [hbm4b:s9+s4], $0x2800, $0x38;
	[tilespmem:$0x13F10] =	vst v63  }
0x21: {  	_ =	swait.ge [sflag:s13], $0x2800  }
0x22: {  	[sflag:s13] =	ssyncset.done $0x0  }
0x23: {  	[sflag:s13] =	ssyncadd.s32 $0xFFFFD800  }
0x24: {  	[bflag:$0x0] =	sbarrier.arrive $0xFFFF  }
0x25: {  	[tilespmem:s20], [sflag:$0x1] =	stream.indirect.gather [spmem:s3], $0x28, s4, s19, $0xb8;
	[tilespmem:$0x13F10] =	vst v63  }
0x26: {  	s28 =	simm.s32 $0x80  }
0x27: {  	[tilespmem:s21], [sflag:$0x2] =	stream.indirect.gather [spmem:s3], $0x28, s28, s19, $0xb8;
	[tilespmem:$0x13F10] =	vst v63  }
0x28: {  	_ =	swait.ge [sflag:s15], $0x1388  }
0x29: {  	[sflag:s15] =	ssyncset.done $0x0  }
0x2a: {  	s28 =	simm.s32 $0x2800;
	[sflag:s15] =	ssyncadd.s32 $0xFFFFEC78  }
0x2b: {  	[spmem:s1] =	stream.indirect.scatter.add.f32 [tilespmem:s20], [sflag:$0x3], $0x28, s28, s19, $0xb8;
	[tilespmem:$0x13F10] =	vst v63  }
0x2c: {  	_ =	swait.ge [sflag:s13], $0x1388  }
0x2d: {  	[sflag:s13] =	ssyncset.done $0x0  }
0x2e: {  	s28 =	simm.s32 $0x100;
	[sflag:s13] =	ssyncadd.s32 $0xFFFFEC78  }
0x2f: {  	[tilespmem:s20], [sflag:$0x1] =	stream.indirect.gather [spmem:s3], $0x28, s28, s19, $0xb8;
	[tilespmem:$0x13F10] =	vst v63  }
0x30: {  	_ =	swait.ge [sflag:s22], $0x1388  }
0x31: {  	[sflag:s22] =	ssyncset.done $0x0  }
0x32: {  	s28 =	simm.s32 $0x2880;
	[sflag:s22] =	ssyncadd.s32 $0xFFFFEC78  }
0x33: {  	[spmem:s1] =	stream.indirect.scatter.add.f32 [tilespmem:s21], [sflag:$0x3], $0x28, s28, s19, $0xb8;
	[tilespmem:$0x13F10] =	vst v63  }
0x34: {  	_ =	swait.ge [sflag:s13], $0x1388  }
0x35: {  	s29 =	simm.s32 $0x800;
	s28 =	simm.s32 $0x100;
	[sflag:s13] =	ssyncset.done $0x0  }
.LBB2_2:
0x36: {  	s30 =	sadd.s32 $0x80, s28  }
0x37: {  	[sflag:s13] =	ssyncadd.s32 $0xFFFFEC78;
	s31 =	smov.u32 s29;
	s0 =	sadd.s32 $0x400, s29  }
0x38: {  	[tilespmem:s21], [sflag:$0x2] =	stream.indirect.gather [spmem:s3], $0x28, s30, s19, $0xb8;
	[tilespmem:$0x13F10] =	vst v63  }
0x39: {  	p0 =	sne.s32 s29, $0x9800;
	_ =	swait.ge [sflag:s15], $0x1388  }
0x3a: {  	[sflag:s15] =	ssyncset.done $0x0  }
0x3b: {  	s29 =	sadd.s32 $0x2800, s28;
	[sflag:s15] =	ssyncadd.s32 $0xFFFFEC78  }
0x3c: {  	[spmem:s1] =	stream.indirect.scatter.add.f32 [tilespmem:s20], [sflag:$0x3], $0x28, s29, s19, $0xb8;
	[tilespmem:$0x13F10] =	vst v63  }
0x3d: {  	_ =	swait.ge [sflag:s13], $0x1388  }
0x3e: {  	[sflag:s13] =	ssyncset.done $0x0  }
0x3f: {  	s29 =	sadd.s32 $0x100, s28;
	[sflag:s13] =	ssyncadd.s32 $0xFFFFEC78  }
0x40: {  	[tilespmem:s20], [sflag:$0x1] =	stream.indirect.gather [spmem:s3], $0x28, s29, s19, $0xb8;
	[tilespmem:$0x13F10] =	vst v63  }
0x41: {  	_ =	swait.ge [sflag:s22], $0x1388  }
.Ltmp0:
0x42: {  	[sflag:s22] =	ssyncset.done $0x0;
	(pc) =	sbr.rel @p0 .LBB2_2-.Ltmp0, $4  }
0x43: {  	s28 =	sadd.s32 $0x2880, s28;
	[sflag:s22] =	ssyncadd.s32 $0xFFFFEC78  }
0x44: {  	[spmem:s1] =	stream.indirect.scatter.add.f32 [tilespmem:s21], [sflag:$0x3], $0x28, s28, s19, $0xb8;
	[tilespmem:$0x13F10] =	vst v63  }
0x45: {  	_ =	swait.ge [sflag:s13], $0x1388  }
0x46: {  	s29 =	smov.u32 s0;
	s28 =	sshra.s32 s31, $0x2;
	[sflag:s13] =	ssyncset.done $0x0  }
0x47: {  	s0 =	sadd.s32 $0x80, s28;
	[sflag:s13] =	ssyncadd.s32 $0xFFFFEC78  }
0x48: {  	[tilespmem:s21], [sflag:$0x2] =	stream.indirect.gather [spmem:s3], $0x28, s0, s19, $0xb8;
	[tilespmem:$0x13F10] =	vst v63  }
0x49: {  	_ =	swait.ge [sflag:s15], $0x1388  }
0x4a: {  	[sflag:s15] =	ssyncset.done $0x0  }
0x4b: {  	s29 =	sadd.s32 $0x2800, s28;
	[sflag:s15] =	ssyncadd.s32 $0xFFFFEC78  }
0x4c: {  	[spmem:s1] =	stream.indirect.scatter.add.f32 [tilespmem:s20], [sflag:$0x3], $0x28, s29, s19, $0xb8;
	[tilespmem:$0x13F10] =	vst v63  }
0x4d: {  	_ =	swait.ge [sflag:s13], $0x1388  }
0x4e: {  	[sflag:s13] =	ssyncset.done $0x0  }
0x4f: {  	s30 =	sadd.s32 $0x100, s28;
	[sflag:s13] =	ssyncadd.s32 $0xFFFFEC78  }
0x50: {  	[tilespmem:s20], [sflag:$0x1] =	stream.indirect.gather [spmem:s3], $0x28, s30, s19, $0xb8;
	[tilespmem:$0x13F10] =	vst v63  }
0x51: {  	_ =	swait.ge [sflag:s22], $0x1388  }
0x52: {  	[sflag:s22] =	ssyncset.done $0x0  }
0x53: {  	s31 =	sadd.s32 $0x2880, s28;
	[sflag:s22] =	ssyncadd.s32 $0xFFFFEC78  }
0x54: {  	[spmem:s1] =	stream.indirect.scatter.add.f32 [tilespmem:s21], [sflag:$0x3], $0x28, s31, s19, $0xb8;
	[tilespmem:$0x13F10] =	vst v63  }
0x55: {  	_ =	swait.ge [sflag:s13], $0x1388  }
0x56: {  	[sflag:s13] =	ssyncset.done $0x0  }
0x57: {  	[sflag:s13] =	ssyncadd.s32 $0xFFFFEC78  }
0x58: {  	[tilespmem:s21], [sflag:$0x2] =	stream.indirect.gather [spmem:s3], $0x28, s23, s19, $0xb8;
	[tilespmem:$0x13F10] =	vst v63  }
0x59: {  	_ =	swait.ge [sflag:s15], $0x1388  }
0x5a: {  	[sflag:s15] =	ssyncset.done $0x0  }
0x5b: {  	[sflag:s15] =	ssyncadd.s32 $0xFFFFEC78  }
0x5c: {  	[spmem:s1] =	stream.indirect.scatter.add.f32 [tilespmem:s20], [sflag:$0x3], $0x28, s24, s19, $0xb8;
	[tilespmem:$0x13F10] =	vst v63  }
0x5d: {  	_ =	swait.ge [sflag:s13], $0x1388  }
0x5e: {  	[sflag:s13] =	ssyncset.done $0x0  }
0x5f: {  	[sflag:s13] =	ssyncadd.s32 $0xFFFFEC78  }
0x60: {  	_ =	swait.ge [sflag:s22], $0x1388  }
0x61: {  	[sflag:s22] =	ssyncset.done $0x0  }
0x62: {  	[sflag:s22] =	ssyncadd.s32 $0xFFFFEC78  }
0x63: {  	[spmem:s1] =	stream.indirect.scatter.add.f32 [tilespmem:s21], [sflag:$0x3], $0x28, s25, s19, $0xb8;
	[tilespmem:$0x13F10] =	vst v63  }
0x64: {  	_ =	swait.ge [sflag:s13], $0x1388  }
0x65: {  	s26 =	sadd.s32 $0x1, s26;
	[sflag:s13] =	ssyncset.done $0x0  }
0x66: {  	p0 =	sne.s32 s26, s11;
	[sflag:s13] =	ssyncadd.s32 $0xFFFFEC78  }
.Ltmp1:
0x67: {  	[bflag:$0x0] =	sbarrier.arrive $0xFFFF;
	(pc) =	sbr.rel @p0 .LBB2_1-.Ltmp1, $4  }
0x68: {  	[hbm:s10@s17], [sflag:s6] =	dma.strided [spmem:s12@s16], $0xC80, s15, $0x5   }
0x69: {  	_ =	swait.ge [sflag:s13], $0xC80  }
0x6a: {  	[sflag:s13] =	ssyncset.done $0x0  }
0x6b: {  	[sflag:s13] =	ssyncadd.s32 $0xFFFFF380  }
0x6c: {  	_ =	sfence.sel $0x180000  }
0x6d: {  	[bflag:$0x0] =	sbarrier.arrive $0xFFFF  }
0x6e: {  	_ =	strace $0x9000004D  }
0x6f: {  	[bflag:$0x2] =	sbarrier.arrive $0xFFFF  }
0x70: {  	p0 =	sne.s32 s2, $0x0;
	s0 =	rddreg [dreg:$0x4]  }
0x71: {  	s0 =	sadd.s32 @!p0 $0x100000, s0  }
0x72: {  	[sflag:s0] =	ssyncadd.tile.s32 @!p0 $0x1;
	_ =	shalt  }
.Lfunc_end2:
_tile_overlayer_lowered:
.L_overlay_start_2:
0x73: {  	(tag) =	ssettag $0x2  }
0x74: {  	s0 =	rddreg [dreg:$0x0];
	s2 =	stileid.u32  }
0x75: {  	s1 =	rddreg [dreg:$0x1];
	p0 =	sne.s32 s2, $0x0  }
0x76: {  	s3 =	rddreg [dreg:$0x2];
	[bflag:$0x3] =	sbarrier.arrive $0xFFFF;
	s2 =	simm.s32 @!p0 $0x1C03  }
0x77: {  	[timem:s3], [sflag:s2] =	dma.local @!p0 [hbm:s0], s1  }
0x78: {  	s0 =	simm.s32 @!p0 $0x3  }
0x79: {  	_ =	swait.ge @!p0 [sflag:s0], s1  }
0x7a: {  	s1 =	ssub.s32 @!p0 $0x0, s1;
	[sflag:s0] =	ssyncset.done @!p0 $0x0  }
0x7b: {  	[sflag:s0] =	ssyncadd.s32 @!p0 s1  }
0x7c: {  	[bflag:$0x3] =	sbarrier.arrive $0xFFFF  }
0x7d: {  	_ =	shalt  }

// kernel: sc_gcn_agg_64.3.cloned.1.call-start
scs
__scs_entry_jumppad:
0x0: {  	(pc) =	sbr.rel $0x88, $3  }
0x1: {  	(tag) =	ssettag $0x0;
	lr =	simm.s32 $0x1  }
0x2: {  	[smem:$0x3F9B] =	sst lr;
	_ =	strace $0xD0000000  }
0x3: {  	_ = 	snop  }
0x4: {  	_ = 	snop  }
0x5: {  	_ = 	snop  }
0x6: {  	_ = 	snop  }
0x7: {  	_ = 	snop  }
__scs_overlays_trampoline_lowered:
0x8: {  	[smem:$0x3FAA] =	sst s0  }
0x9: {  	[smem:$0x3FAB] =	sst s1  }
0xa: {  	[smem:$0x3FAC] =	sst s2  }
0xb: {  	[smem:$0x3FAD] =	sst s3  }
0xc: {  	[smem:$0x3FAE] =	sst s4  }
0xd: {  	[smem:$0x3FAF] =	sst s5  }
0xe: {  	[smem:$0x3FB0] =	sst s6  }
0xf: {  	[smem:$0x3FB1] =	sst s7  }
0x10: {  	[smem:$0x3FB2] =	sst s8  }
0x11: {  	[smem:$0x3FB3] =	sst s9;
	s0 =	simm.s32 @!p0 $0x0  }
0x12: {  	s1 =	sld [smem:$0x3F99];
	s0 =	simm.s32 @p0 $0x1  }
0x13: {  	[smem:$0x3FB4] =	sst s0;
	s0 =	simm.s32 @!p1 $0x0  }
0x14: {  	s2 =	sld [smem:$0x3F98];
	s0 =	simm.s32 @p1 $0x1  }
0x15: {  	[smem:$0x3FB5] =	sst s0;
	s0 =	simm.s32 @!p2 $0x0  }
0x16: {  	s3 =	sld [smem:$0x3FDB];
	s0 =	simm.s32 @p2 $0x1  }
0x17: {  	s4 =	simm.s32 $0x1BF5;
	[smem:$0x3FB7] =	sst s0  }
0x18: {  	s0 =	sld [smem:$0x3F9A];
	_ =	swait.ge [sflag:s4], $0x0  }
0x19: {  	s7 =	sld [smem:$0x3F9B]  }
0x1a: {  	s8 =	sadd.s32 $0xFFFFE003, lr  }
0x1b: {  	s9 =	sadd.s32 $0xFFFFFEF7, lr;
	s5 =	simm.s32 $0xFFFFFFFF;
	p2 =	slt.u32 s8, $0xFFFFF086  }
0x1c: {  	p1 =	slt.u32 s9, $0xF7A;
	s5 =	simm.s32 @!p2 $0x0  }
0x1d: {  	s5 =	simm.s32 @p1 $0x1;
	p0 =	seq.s32 s7, s2  }
0x1e: {  	s7 =	smul.u32 @!p0 $0xF7A, s2;
	p2 =	seq.s32 @!p0 s5, $0x0  }
0x1f: {  	s9 =	smul.u32 $0xF7A, s1;
	s8 =	simm.s32 @!p0 $0x1BF5;
	p2 =	por !p2, p0  }
0x20: {  	[sflag:s8] =	ssyncset.s32 @!p0 $0xFFFFF086;
	s6 =	sadd.s32 @!p0 s3, s7;
	s7 =	simm.s32 @!p0 $0x108  }
0x21: {  	s3 =	sadd.s32 s3, s9;
	s6 =	sadd.s32 @!p0 $0x88, s6;
	s7 =	simm.s32 @p2 $0x1082  }
0x22: {  	[simem:s7], [sflag:s8] =	dma.local @!p0 [hbm:s6], $0xF7A  }
0x23: {  	s9 =	sor.u32 $0xD0000000, s2;
	s6 =	simm.s32 $0x108;
	_ =	swait.ge @!p0 [sflag:s8], $0x0  }
0x24: {  	s3 =	sadd.s32 $0x88, s3;
	s6 =	simm.s32 @!p1 $0x1082;
	[sflag:s4] =	ssyncset.s32 $0xFFFFF086  }
0x25: {  	[simem:s6], [sflag:s4] =	dma.local [hbm:s3], $0xF7A  }
0x26: {  	[smem:$0x3F9B] =	sst s1;
	(tag) =	ssettag s2;
	_ =	strace s9  }
0x27: {  	s1 =	sld [smem:$0x3FAB]  }
0x28: {  	s2 =	sld [smem:$0x3FAC]  }
0x29: {  	s4 =	sld [smem:$0x3FAE]  }
0x2a: {  	p0 =	seq.s32 s5, $0x0;
	s5 =	sld [smem:$0x3FAF]  }
0x2b: {  	s6 =	sld [smem:$0x3FB0]  }
0x2c: {  	s7 =	sld [smem:$0x3FB1]  }
0x2d: {  	s3 =	simm.s32 $0x108;
	s8 =	sld [smem:$0x3FB2]  }
0x2e: {  	s3 =	simm.s32 @!p0 $0x1082;
	s9 =	sld [smem:$0x3FB3]  }
0x2f: {  	lr =	sadd.s32 s0, s3;
	s0 =	sld [smem:$0x3FAA]  }
0x30: {  	s3 =	sld [smem:$0x3FAD]  }
0x31: {  	[smem:$0x3FB6] =	sst s10  }
0x32: {  	s10 =	sld [smem:$0x3FB4];
	_ =	sdelay $0x3  }
0x33: {  	p0 =	seq.s32 s10, $0x1;
	s10 =	sld [smem:$0x3FB6];
	_ =	sdelay $0x3  }
0x34: {  	[smem:$0x3FB6] =	sst s10  }
0x35: {  	s10 =	sld [smem:$0x3FB5];
	_ =	sdelay $0x3  }
0x36: {  	p1 =	seq.s32 s10, $0x1;
	s10 =	sld [smem:$0x3FB6];
	_ =	sdelay $0x3  }
0x37: {  	[smem:$0x3FB6] =	sst s10  }
0x38: {  	s10 =	sld [smem:$0x3FB7]  }
0x39: {  	_ = 	snop;
	(pc) =	sbr.ind lr, $3  }
0x3a: {  	_ = 	snop  }
0x3b: {  	_ = 	snop  }
0x3c: {  	p2 =	seq.s32 s10, $0x1;
	s10 =	sld [smem:$0x3FB6]  }
0x3d: {  	_ =	shalt  }
0x3e: {  	_ =	shalt  }
0x3f: {  	_ =	shalt  }
0x40: {  	_ =	shalt  }
0x41: {  	_ =	shalt  }
0x42: {  	_ =	shalt  }
0x43: {  	_ =	shalt  }
0x44: {  	_ =	shalt  }
0x45: {  	_ =	shalt  }
0x46: {  	_ =	shalt  }
0x47: {  	_ =	shalt  }
0x48: {  	_ =	shalt  }
0x49: {  	_ =	shalt  }
0x4a: {  	_ =	shalt  }
0x4b: {  	_ =	shalt  }
0x4c: {  	_ =	shalt  }
0x4d: {  	_ =	shalt  }
0x4e: {  	_ =	shalt  }
0x4f: {  	_ =	shalt  }
0x50: {  	_ =	shalt  }
0x51: {  	_ =	shalt  }
0x52: {  	_ =	shalt  }
0x53: {  	_ =	shalt  }
0x54: {  	_ =	shalt  }
0x55: {  	_ =	shalt  }
0x56: {  	_ =	shalt  }
0x57: {  	_ =	shalt  }
0x58: {  	_ =	shalt  }
0x59: {  	_ =	shalt  }
0x5a: {  	_ =	shalt  }
0x5b: {  	_ =	shalt  }
0x5c: {  	_ =	shalt  }
0x5d: {  	_ =	shalt  }
0x5e: {  	_ =	shalt  }
0x5f: {  	_ =	shalt  }
0x60: {  	_ =	shalt  }
0x61: {  	_ =	shalt  }
0x62: {  	_ =	shalt  }
0x63: {  	_ =	shalt  }
0x64: {  	_ =	shalt  }
0x65: {  	_ =	shalt  }
0x66: {  	_ =	shalt  }
0x67: {  	_ =	shalt  }
0x68: {  	_ =	shalt  }
0x69: {  	_ =	shalt  }
0x6a: {  	_ =	shalt  }
0x6b: {  	_ =	shalt  }
0x6c: {  	_ =	shalt  }
0x6d: {  	_ =	shalt  }
0x6e: {  	_ =	shalt  }
0x6f: {  	_ =	shalt  }
0x70: {  	_ =	shalt  }
0x71: {  	_ =	shalt  }
0x72: {  	_ =	shalt  }
0x73: {  	_ =	shalt  }
0x74: {  	_ =	shalt  }
0x75: {  	_ =	shalt  }
0x76: {  	_ =	shalt  }
0x77: {  	_ =	shalt  }
0x78: {  	_ =	shalt  }
0x79: {  	_ =	shalt  }
0x7a: {  	_ =	shalt  }
0x7b: {  	_ =	shalt  }
0x7c: {  	_ =	shalt  }
0x7d: {  	_ =	shalt  }
0x7e: {  	_ =	shalt  }
0x7f: {  	_ =	shalt  }
0x80: {  	_ =	shalt  }
0x81: {  	_ =	shalt  }
0x82: {  	_ =	shalt  }
0x83: {  	_ =	shalt  }
0x84: {  	_ =	shalt  }
0x85: {  	_ =	shalt  }
0x86: {  	_ =	shalt  }
0x87: {  	_ =	shalt  }
.Lfunc_end0:
.L_simem_size_0:
called_computation.1_lowered:
.L_overlay_start_0:
0x88: {  	s2 =	sld [smem:$0x3FD9]  }
0x89: {  	s3 =	sld [smem:$0x3FFE];
	_ =	sdelay $0x1  }
0x8a: {  	s1 =	srdreg.scid  }
0x8b: {  	s0 =	sand.u32 $0x1, s1  }
0x8c: {  	s17 =	sshll.u32 s0, $0xA;
	s2 =	sadd.s32 s3, s2  }
0x8d: {  	s2 =	sadd.s32 s2, s17  }
0x8e: {  	[smem:$0x3FC2] =	sst s2  }
0x8f: {  	_ = 	snop  }
0x90: {  	s2 =	sld [smem:$0x3FD0];
	(tm) =	ssettm $0x1  }
0x91: {  	s18 =	sld [smem:$0x3FFB];
	_ =	sdelay $0x3  }
0x92: {  	_ =	strace s18  }
0x93: {  	s3 =	sld [smem:$0x3FFC];
	_ =	sdelay $0x3  }
0x94: {  	_ =	strace s3  }
0x95: {  	s3 =	sld [smem:$0x3FFD];
	_ =	sdelay $0x3  }
0x96: {  	_ =	strace s3  }
0x97: {  	_ =	strace $0x8FFFFFFF  }
0x98: {  	s19 =	sld [smem:$0x3FDB];
	_ =	sdelay $0x1  }
0x99: {  	s4 =	simm.s32 $_scs_section_size  }
0x9a: {  	s5 =	simm.s32 $_size__tile_overlayer_lowered;
	s6 =	simm.s32 $_tile_overlayer_lowered  }
0x9b: {  	s22 =	simm.s32 $0x1BFF;
	s21 =	sshll.u32 s6, $0x1;
	s3 =	sadd.s32 s4, s19  }
0x9c: {  	s7 =	simm.s32 $0x0;
	s20 =	sshll.u32 s5, $0x1;
	s5 =	sadd.s32 s21, s3  }
0x9d: {  	[timem:s7], [sflag:s22] =	dma.local [hbm:s5], s20  }
0x9e: {  	_ =	swait.ge [sflag:s22], s20  }
0x9f: {  	s4 =	ssub.s32 $0x0, s20;
	[sflag:s22] =	ssyncset.done $0x0  }
0xa0: {  	[sflag:s22] =	ssyncadd.s32 s4;
	_ =	sdelay $0x1  }
0xa1: {  	s23 =	simm.s32 $0x1B8B  }
0xa2: {  	_ =	swait.ge [sflag:s23], $0x1  }
0xa3: {  	[sflag:s23] =	ssyncset.done $0x0  }
0xa4: {  	s25 =	simm.s32 $0x1B8E;
	s24 =	sld [smem:$0x3FFE];
	[sflag:s23] =	ssyncadd.s32 $0xFFFFFFFF  }
0xa5: {  	s26 =	simm.s32 $execute0_lowered;
	[smem:$0x3FD2] =	sst s25  }
0xa6: {  	s5 =	sshll.u32 s26, $0x1;
	_ =	strace $0x80000049;
	[dreg:$0x1] =	wrdreg $0xFFFFFFFF  }
0xa7: {  	s28 =	simm.s32 $_size_execute0_lowered;
	s3 =	sadd.s32 s3, s5;
	[dreg:$0x0] =	wrdreg $0x0  }
0xa8: {  	s5 =	sshll.u32 s28, $0x1;
	[dreg:$0x2] =	wrdreg s3  }
0xa9: {  	[dreg:$0x3] =	wrdreg s5  }
0xaa: {  	[dreg:$0x4] =	wrdreg $0xC0  }
0xab: {  	_ =	task [dreg:s7], $0x5FFFF  }
0xac: {  	[dreg:$0x1] =	wrdreg $0xFFFFFFFF  }
0xad: {  	[dreg:$0x0] =	wrdreg $0x60  }
0xae: {  	[dreg:$0x2] =	wrdreg s24  }
0xaf: {  	[dreg:$0x3] =	wrdreg s2  }
0xb0: {  	[dreg:$0x4] =	wrdreg $0x12E800  }
0xb1: {  	[dreg:$0x5] =	wrdreg $0x8E800  }
0xb2: {  	[dreg:$0x6] =	wrdreg $0x9  }
0xb3: {  	_ =	task.clear_ibuf [dreg:s7], $0x7FFFF;
	_ =	strace $0x90000049  }
0xb4: {  	s29 =	simm.s32 $0x9;
	_ =	strace $0x8000004B  }
0xb5: {  	_ =	swait.ge [sflag:s29], $0x1  }
0xb6: {  	[sflag:s29] =	ssyncadd.s32 $0xFFFFFFFF  }
0xb7: {  	_ =	strace $0x9000004B  }
0xb8: {  	_ =	sfence  }
0xb9: {  	s30 =	sld [smem:$0x0];
	_ =	sdelay $0x2  }
0xba: {  	s31 =	sshll.u32 s1, $0xD;
	s1 =	sshrl.u32 s1, $0x2  }
0xbb: {  	s3 =	sand.u32 $0x4000, s31;
	s1 =	sadd.s32 s1, s30  }
0xbc: {  	s0 =	sor.u32 s3, s0;
	s1 =	sshll.u32 s1, $0x11  }
0xbd: {  	s0 =	sor.u32 s1, s0  }
0xbe: {  	s0 =	sadd.s32 $0x8F2B, s0  }
0xbf: {  	[sflag:s0] =	ssyncadd.remote.s32 $0x1  }
0xc0: {  	_ =	sfence.sel $0xFFFF  }
0xc1: {  	[dreg:$0x0] =	wrdreg $0xFFFFFFFF;
	(pc) =	sbr.abs _section_cstart, $3  }
0xc2: {  	[dreg:$0x1] =	wrdreg $0xFFFFFFFF  }
0xc3: {  	_ =	task.clear_ibuf [dreg:s7], $0x2FFFF;
	_ =	strace $0x9FFFFFFF  }
0xc4: {  	(tm) =	ssettm $0x7FFFFFFF  }
0xc5: {  	_ =	shalt  }
tec
execute0_lowered:
.L_overlay_start_1:
0x0: {  	(tag) =	ssettag $0x1  }
0x1: {  	s5 =	rddreg [dreg:$0x0]  }
0x2: {  	s9 =	rddreg [dreg:$0x1]  }
0x3: {  	s1 =	rddreg [dreg:$0x2];
	s0 =	srdreg.scid  }
0x4: {  	s3 =	rddreg [dreg:$0x3];
	s2 =	stileid.u32;
	s4 =	simm.s32 $0x0  }
0x5: {  	s18 =	simm.s32 $0x2800;
	s19 =	simm.s32 $0x7D;
	s20 =	simm.s32 $0x5000  }
0x6: {  	s21 =	simm.s32 $0x6F40;
	s22 =	simm.s32 $0x2;
	s23 =	simm.s32 $0x2780  }
0x7: {  	s24 =	simm.s32 $0x4F00;
	s25 =	simm.s32 $0x4F80;
	s26 =	simm.s32 $0x0  }
0x8: {  	s6 =	sand.u32 $0x1, s0;
	s8 =	smul.u32 $0x14000, s2;
	[smem:$0x7FF] =	sst s4  }
0x9: {  	s11 =	smul.u32 $0xA000, s2;
	s31 =	sshll.u32 s2, $0x6;
	s7 =	sshll.u32 s6, $0x4  }
0xa: {  	_ =	strace $0x8000004A;
	s13 =	sshll.u32 s6, $0x6;
	s6 =	ssub.s32 $0x2, s6  }
0xb: {  	s7 =	sor.u32 s2, s7;
	s28 =	sshrl.u32 s8, $0x3;
	s14 =	sshrl.u32 s11, $0x3  }
0xc: {  	s8 =	sor.u32 s13, s8;
	s30 =	sshrl.u32 s6, $0x1;
	s16 =	sadd.s32 s11, s1  }
0xd: {  	s17 =	sadd.s32 s11, s3;
	s13 =	simm.s32 $0x3;
	s10 =	smul.u32 $0x500, s7  }
0xe: {  	s7 =	sadd.s32 s28, s5;
	s29 =	sadd.s32 s14, s5;
	s8 =	sshrl.u32 s8, $0x3  }
0xf: {  	s14 =	ssub.s32 s6, s30;
	s6 =	sor.u32 $0x1C03, s31;
	s15 =	sadd.s32 s8, s5  }
0x10: {  	s7 =	sadd.s32 $0x3000, s7;
	s11 =	smax.u32 s14, $0x1;
	s14 =	sshrl.u32 s17, $0x3  }
0x11: {  	s17 =	simm.s32 $0x10;
	s12 =	sadd.s32 s10, s5;
	s5 =	sadd.s32 $0x37A00, s29  }
0x12: {  	s9 =	sadd.s32 s9, s10;
	s10 =	sadd.s32 $0x4BA00, s15;
	s15 =	simm.s32 $0x1  }
0x13: {  	s8 =	sadd.s32 $0x2DA00, s12;
	s12 =	sshrl.u32 s16, $0x3;
	s16 =	simm.s32 $0x8  }
.LBB2_1:
0x14: {  	[spmem:s12], [sflag:s6] =	dma.local [hbm:s5], $0x1400  }
0x15: {  	_ =	swait.ge [sflag:s13], $0x1400  }
0x16: {  	[sflag:s13] =	ssyncset.done $0x0  }
0x17: {  	[sflag:s13] =	ssyncadd.s32 $0xFFFFEC00  }
0x18: {  	[spmem:s14@s16], [sflag:s6] =	dma.strided [hbm:s7@s17], $0x1400, s15, $0x8   }
0x19: {  	_ =	swait.ge [sflag:s13], $0x1400  }
0x1a: {  	[sflag:s13] =	ssyncset.done $0x0  }
0x1b: {  	[sflag:s13] =	ssyncadd.s32 $0xFFFFEC00  }
0x1c: {  	[tilespmem:s4], [sflag:$0x3] =	stream.linear.gather [hbm4b:s8+s4], $0x2800, $0x38;
	[tilespmem:$0x1CE80] =	vst v63  }
0x1d: {  	_ =	swait.ge [sflag:s13], $0x2800  }
0x1e: {  	[sflag:s13] =	ssyncset.done $0x0  }
0x1f: {  	[sflag:s13] =	ssyncadd.s32 $0xFFFFD800  }
0x20: {  	[tilespmem:s18], [sflag:$0x3] =	stream.linear.gather [hbm4b:s9+s4], $0x2800, $0x38;
	[tilespmem:$0x1CE80] =	vst v63  }
0x21: {  	_ =	swait.ge [sflag:s13], $0x2800  }
0x22: {  	[sflag:s13] =	ssyncset.done $0x0  }
0x23: {  	[sflag:s13] =	ssyncadd.s32 $0xFFFFD800  }
0x24: {  	[bflag:$0x0] =	sbarrier.arrive $0xFFFF  }
0x25: {  	[tilespmem:s20], [sflag:$0x1] =	stream.indirect.gather [spmem:s3], $0x40, s4, s19, $0xb8;
	[tilespmem:$0x1CE80] =	vst v63  }
0x26: {  	s28 =	simm.s32 $0x80  }
0x27: {  	[tilespmem:s21], [sflag:$0x2] =	stream.indirect.gather [spmem:s3], $0x40, s28, s19, $0xb8;
	[tilespmem:$0x1CE80] =	vst v63  }
0x28: {  	_ =	swait.ge [sflag:s15], $0x1F40  }
0x29: {  	[sflag:s15] =	ssyncset.done $0x0  }
0x2a: {  	s28 =	simm.s32 $0x2800;
	[sflag:s15] =	ssyncadd.s32 $0xFFFFE0C0  }
0x2b: {  	[spmem:s1] =	stream.indirect.scatter.add.f32 [tilespmem:s20], [sflag:$0x3], $0x40, s28, s19, $0xb8;
	[tilespmem:$0x1CE80] =	vst v63  }
0x2c: {  	_ =	swait.ge [sflag:s13], $0x1F40  }
0x2d: {  	[sflag:s13] =	ssyncset.done $0x0  }
0x2e: {  	s28 =	simm.s32 $0x100;
	[sflag:s13] =	ssyncadd.s32 $0xFFFFE0C0  }
0x2f: {  	[tilespmem:s20], [sflag:$0x1] =	stream.indirect.gather [spmem:s3], $0x40, s28, s19, $0xb8;
	[tilespmem:$0x1CE80] =	vst v63  }
0x30: {  	_ =	swait.ge [sflag:s22], $0x1F40  }
0x31: {  	[sflag:s22] =	ssyncset.done $0x0  }
0x32: {  	s28 =	simm.s32 $0x2880;
	[sflag:s22] =	ssyncadd.s32 $0xFFFFE0C0  }
0x33: {  	[spmem:s1] =	stream.indirect.scatter.add.f32 [tilespmem:s21], [sflag:$0x3], $0x40, s28, s19, $0xb8;
	[tilespmem:$0x1CE80] =	vst v63  }
0x34: {  	_ =	swait.ge [sflag:s13], $0x1F40  }
0x35: {  	s29 =	simm.s32 $0x800;
	s28 =	simm.s32 $0x100;
	[sflag:s13] =	ssyncset.done $0x0  }
.LBB2_2:
0x36: {  	s30 =	sadd.s32 $0x80, s28  }
0x37: {  	[sflag:s13] =	ssyncadd.s32 $0xFFFFE0C0;
	s31 =	smov.u32 s29;
	s0 =	sadd.s32 $0x400, s29  }
0x38: {  	[tilespmem:s21], [sflag:$0x2] =	stream.indirect.gather [spmem:s3], $0x40, s30, s19, $0xb8;
	[tilespmem:$0x1CE80] =	vst v63  }
0x39: {  	p0 =	sne.s32 s29, $0x9800;
	_ =	swait.ge [sflag:s15], $0x1F40  }
0x3a: {  	[sflag:s15] =	ssyncset.done $0x0  }
0x3b: {  	s29 =	sadd.s32 $0x2800, s28;
	[sflag:s15] =	ssyncadd.s32 $0xFFFFE0C0  }
0x3c: {  	[spmem:s1] =	stream.indirect.scatter.add.f32 [tilespmem:s20], [sflag:$0x3], $0x40, s29, s19, $0xb8;
	[tilespmem:$0x1CE80] =	vst v63  }
0x3d: {  	_ =	swait.ge [sflag:s13], $0x1F40  }
0x3e: {  	[sflag:s13] =	ssyncset.done $0x0  }
0x3f: {  	s29 =	sadd.s32 $0x100, s28;
	[sflag:s13] =	ssyncadd.s32 $0xFFFFE0C0  }
0x40: {  	[tilespmem:s20], [sflag:$0x1] =	stream.indirect.gather [spmem:s3], $0x40, s29, s19, $0xb8;
	[tilespmem:$0x1CE80] =	vst v63  }
0x41: {  	_ =	swait.ge [sflag:s22], $0x1F40  }
.Ltmp0:
0x42: {  	[sflag:s22] =	ssyncset.done $0x0;
	(pc) =	sbr.rel @p0 .LBB2_2-.Ltmp0, $4  }
0x43: {  	s28 =	sadd.s32 $0x2880, s28;
	[sflag:s22] =	ssyncadd.s32 $0xFFFFE0C0  }
0x44: {  	[spmem:s1] =	stream.indirect.scatter.add.f32 [tilespmem:s21], [sflag:$0x3], $0x40, s28, s19, $0xb8;
	[tilespmem:$0x1CE80] =	vst v63  }
0x45: {  	_ =	swait.ge [sflag:s13], $0x1F40  }
0x46: {  	s29 =	smov.u32 s0;
	s28 =	sshra.s32 s31, $0x2;
	[sflag:s13] =	ssyncset.done $0x0  }
0x47: {  	s0 =	sadd.s32 $0x80, s28;
	[sflag:s13] =	ssyncadd.s32 $0xFFFFE0C0  }
0x48: {  	[tilespmem:s21], [sflag:$0x2] =	stream.indirect.gather [spmem:s3], $0x40, s0, s19, $0xb8;
	[tilespmem:$0x1CE80] =	vst v63  }
0x49: {  	_ =	swait.ge [sflag:s15], $0x1F40  }
0x4a: {  	[sflag:s15] =	ssyncset.done $0x0  }
0x4b: {  	s29 =	sadd.s32 $0x2800, s28;
	[sflag:s15] =	ssyncadd.s32 $0xFFFFE0C0  }
0x4c: {  	[spmem:s1] =	stream.indirect.scatter.add.f32 [tilespmem:s20], [sflag:$0x3], $0x40, s29, s19, $0xb8;
	[tilespmem:$0x1CE80] =	vst v63  }
0x4d: {  	_ =	swait.ge [sflag:s13], $0x1F40  }
0x4e: {  	[sflag:s13] =	ssyncset.done $0x0  }
0x4f: {  	s30 =	sadd.s32 $0x100, s28;
	[sflag:s13] =	ssyncadd.s32 $0xFFFFE0C0  }
0x50: {  	[tilespmem:s20], [sflag:$0x1] =	stream.indirect.gather [spmem:s3], $0x40, s30, s19, $0xb8;
	[tilespmem:$0x1CE80] =	vst v63  }
0x51: {  	_ =	swait.ge [sflag:s22], $0x1F40  }
0x52: {  	[sflag:s22] =	ssyncset.done $0x0  }
0x53: {  	s31 =	sadd.s32 $0x2880, s28;
	[sflag:s22] =	ssyncadd.s32 $0xFFFFE0C0  }
0x54: {  	[spmem:s1] =	stream.indirect.scatter.add.f32 [tilespmem:s21], [sflag:$0x3], $0x40, s31, s19, $0xb8;
	[tilespmem:$0x1CE80] =	vst v63  }
0x55: {  	_ =	swait.ge [sflag:s13], $0x1F40  }
0x56: {  	[sflag:s13] =	ssyncset.done $0x0  }
0x57: {  	[sflag:s13] =	ssyncadd.s32 $0xFFFFE0C0  }
0x58: {  	[tilespmem:s21], [sflag:$0x2] =	stream.indirect.gather [spmem:s3], $0x40, s23, s19, $0xb8;
	[tilespmem:$0x1CE80] =	vst v63  }
0x59: {  	_ =	swait.ge [sflag:s15], $0x1F40  }
0x5a: {  	[sflag:s15] =	ssyncset.done $0x0  }
0x5b: {  	[sflag:s15] =	ssyncadd.s32 $0xFFFFE0C0  }
0x5c: {  	[spmem:s1] =	stream.indirect.scatter.add.f32 [tilespmem:s20], [sflag:$0x3], $0x40, s24, s19, $0xb8;
	[tilespmem:$0x1CE80] =	vst v63  }
0x5d: {  	_ =	swait.ge [sflag:s13], $0x1F40  }
0x5e: {  	[sflag:s13] =	ssyncset.done $0x0  }
0x5f: {  	[sflag:s13] =	ssyncadd.s32 $0xFFFFE0C0  }
0x60: {  	_ =	swait.ge [sflag:s22], $0x1F40  }
0x61: {  	[sflag:s22] =	ssyncset.done $0x0  }
0x62: {  	[sflag:s22] =	ssyncadd.s32 $0xFFFFE0C0  }
0x63: {  	[spmem:s1] =	stream.indirect.scatter.add.f32 [tilespmem:s21], [sflag:$0x3], $0x40, s25, s19, $0xb8;
	[tilespmem:$0x1CE80] =	vst v63  }
0x64: {  	_ =	swait.ge [sflag:s13], $0x1F40  }
0x65: {  	s26 =	sadd.s32 $0x1, s26;
	[sflag:s13] =	ssyncset.done $0x0  }
0x66: {  	p0 =	sne.s32 s26, s11;
	[sflag:s13] =	ssyncadd.s32 $0xFFFFE0C0  }
.Ltmp1:
0x67: {  	[bflag:$0x0] =	sbarrier.arrive $0xFFFF;
	(pc) =	sbr.rel @p0 .LBB2_1-.Ltmp1, $4  }
0x68: {  	[hbm:s10@s17], [sflag:s6] =	dma.strided [spmem:s12@s16], $0x1400, s15, $0x8   }
0x69: {  	_ =	swait.ge [sflag:s13], $0x1400  }
0x6a: {  	[sflag:s13] =	ssyncset.done $0x0  }
0x6b: {  	[sflag:s13] =	ssyncadd.s32 $0xFFFFEC00  }
0x6c: {  	_ =	sfence.sel $0x180000  }
0x6d: {  	[bflag:$0x0] =	sbarrier.arrive $0xFFFF  }
0x6e: {  	_ =	strace $0x9000004A  }
0x6f: {  	[bflag:$0x2] =	sbarrier.arrive $0xFFFF  }
0x70: {  	p0 =	sne.s32 s2, $0x0;
	s0 =	rddreg [dreg:$0x4]  }
0x71: {  	s0 =	sadd.s32 @!p0 $0x100000, s0  }
0x72: {  	[sflag:s0] =	ssyncadd.tile.s32 @!p0 $0x1;
	_ =	shalt  }
.Lfunc_end2:
_tile_overlayer_lowered:
.L_overlay_start_2:
0x73: {  	(tag) =	ssettag $0x2  }
0x74: {  	s0 =	rddreg [dreg:$0x0];
	s2 =	stileid.u32  }
0x75: {  	s1 =	rddreg [dreg:$0x1];
	p0 =	sne.s32 s2, $0x0  }
0x76: {  	s3 =	rddreg [dreg:$0x2];
	[bflag:$0x3] =	sbarrier.arrive $0xFFFF;
	s2 =	simm.s32 @!p0 $0x1C03  }
0x77: {  	[timem:s3], [sflag:s2] =	dma.local @!p0 [hbm:s0], s1  }
0x78: {  	s0 =	simm.s32 @!p0 $0x3  }
0x79: {  	_ =	swait.ge @!p0 [sflag:s0], s1  }
0x7a: {  	s1 =	ssub.s32 @!p0 $0x0, s1;
	[sflag:s0] =	ssyncset.done @!p0 $0x0  }
0x7b: {  	[sflag:s0] =	ssyncadd.s32 @!p0 s1  }
0x7c: {  	[bflag:$0x3] =	sbarrier.arrive $0xFFFF  }
0x7d: {  	_ =	shalt  }

// kernel: sc_gcn_deg.3.cloned.1.call-start
scs
__scs_entry_jumppad:
0x0: {  	(pc) =	sbr.rel $0x88, $3  }
0x1: {  	(tag) =	ssettag $0x0;
	lr =	simm.s32 $0x1  }
0x2: {  	[smem:$0x3F9B] =	sst lr;
	_ =	strace $0xD0000000  }
0x3: {  	_ = 	snop  }
0x4: {  	_ = 	snop  }
0x5: {  	_ = 	snop  }
0x6: {  	_ = 	snop  }
0x7: {  	_ = 	snop  }
__scs_overlays_trampoline_lowered:
0x8: {  	[smem:$0x3FAA] =	sst s0  }
0x9: {  	[smem:$0x3FAB] =	sst s1  }
0xa: {  	[smem:$0x3FAC] =	sst s2  }
0xb: {  	[smem:$0x3FAD] =	sst s3  }
0xc: {  	[smem:$0x3FAE] =	sst s4  }
0xd: {  	[smem:$0x3FAF] =	sst s5  }
0xe: {  	[smem:$0x3FB0] =	sst s6  }
0xf: {  	[smem:$0x3FB1] =	sst s7  }
0x10: {  	[smem:$0x3FB2] =	sst s8  }
0x11: {  	[smem:$0x3FB3] =	sst s9;
	s0 =	simm.s32 @!p0 $0x0  }
0x12: {  	s1 =	sld [smem:$0x3F99];
	s0 =	simm.s32 @p0 $0x1  }
0x13: {  	[smem:$0x3FB4] =	sst s0;
	s0 =	simm.s32 @!p1 $0x0  }
0x14: {  	s2 =	sld [smem:$0x3F98];
	s0 =	simm.s32 @p1 $0x1  }
0x15: {  	[smem:$0x3FB5] =	sst s0;
	s0 =	simm.s32 @!p2 $0x0  }
0x16: {  	s3 =	sld [smem:$0x3FDB];
	s0 =	simm.s32 @p2 $0x1  }
0x17: {  	s4 =	simm.s32 $0x1BF5;
	[smem:$0x3FB7] =	sst s0  }
0x18: {  	s0 =	sld [smem:$0x3F9A];
	_ =	swait.ge [sflag:s4], $0x0  }
0x19: {  	s7 =	sld [smem:$0x3F9B]  }
0x1a: {  	s8 =	sadd.s32 $0xFFFFE003, lr  }
0x1b: {  	s9 =	sadd.s32 $0xFFFFFEF7, lr;
	s5 =	simm.s32 $0xFFFFFFFF;
	p2 =	slt.u32 s8, $0xFFFFF086  }
0x1c: {  	p1 =	slt.u32 s9, $0xF7A;
	s5 =	simm.s32 @!p2 $0x0  }
0x1d: {  	s5 =	simm.s32 @p1 $0x1;
	p0 =	seq.s32 s7, s2  }
0x1e: {  	s7 =	smul.u32 @!p0 $0xF7A, s2;
	p2 =	seq.s32 @!p0 s5, $0x0  }
0x1f: {  	s9 =	smul.u32 $0xF7A, s1;
	s8 =	simm.s32 @!p0 $0x1BF5;
	p2 =	por !p2, p0  }
0x20: {  	[sflag:s8] =	ssyncset.s32 @!p0 $0xFFFFF086;
	s6 =	sadd.s32 @!p0 s3, s7;
	s7 =	simm.s32 @!p0 $0x108  }
0x21: {  	s3 =	sadd.s32 s3, s9;
	s6 =	sadd.s32 @!p0 $0x88, s6;
	s7 =	simm.s32 @p2 $0x1082  }
0x22: {  	[simem:s7], [sflag:s8] =	dma.local @!p0 [hbm:s6], $0xF7A  }
0x23: {  	s9 =	sor.u32 $0xD0000000, s2;
	s6 =	simm.s32 $0x108;
	_ =	swait.ge @!p0 [sflag:s8], $0x0  }
0x24: {  	s3 =	sadd.s32 $0x88, s3;
	s6 =	simm.s32 @!p1 $0x1082;
	[sflag:s4] =	ssyncset.s32 $0xFFFFF086  }
0x25: {  	[simem:s6], [sflag:s4] =	dma.local [hbm:s3], $0xF7A  }
0x26: {  	[smem:$0x3F9B] =	sst s1;
	(tag) =	ssettag s2;
	_ =	strace s9  }
0x27: {  	s1 =	sld [smem:$0x3FAB]  }
0x28: {  	s2 =	sld [smem:$0x3FAC]  }
0x29: {  	s4 =	sld [smem:$0x3FAE]  }
0x2a: {  	p0 =	seq.s32 s5, $0x0;
	s5 =	sld [smem:$0x3FAF]  }
0x2b: {  	s6 =	sld [smem:$0x3FB0]  }
0x2c: {  	s7 =	sld [smem:$0x3FB1]  }
0x2d: {  	s3 =	simm.s32 $0x108;
	s8 =	sld [smem:$0x3FB2]  }
0x2e: {  	s3 =	simm.s32 @!p0 $0x1082;
	s9 =	sld [smem:$0x3FB3]  }
0x2f: {  	lr =	sadd.s32 s0, s3;
	s0 =	sld [smem:$0x3FAA]  }
0x30: {  	s3 =	sld [smem:$0x3FAD]  }
0x31: {  	[smem:$0x3FB6] =	sst s10  }
0x32: {  	s10 =	sld [smem:$0x3FB4];
	_ =	sdelay $0x3  }
0x33: {  	p0 =	seq.s32 s10, $0x1;
	s10 =	sld [smem:$0x3FB6];
	_ =	sdelay $0x3  }
0x34: {  	[smem:$0x3FB6] =	sst s10  }
0x35: {  	s10 =	sld [smem:$0x3FB5];
	_ =	sdelay $0x3  }
0x36: {  	p1 =	seq.s32 s10, $0x1;
	s10 =	sld [smem:$0x3FB6];
	_ =	sdelay $0x3  }
0x37: {  	[smem:$0x3FB6] =	sst s10  }
0x38: {  	s10 =	sld [smem:$0x3FB7]  }
0x39: {  	_ = 	snop;
	(pc) =	sbr.ind lr, $3  }
0x3a: {  	_ = 	snop  }
0x3b: {  	_ = 	snop  }
0x3c: {  	p2 =	seq.s32 s10, $0x1;
	s10 =	sld [smem:$0x3FB6]  }
0x3d: {  	_ =	shalt  }
0x3e: {  	_ =	shalt  }
0x3f: {  	_ =	shalt  }
0x40: {  	_ =	shalt  }
0x41: {  	_ =	shalt  }
0x42: {  	_ =	shalt  }
0x43: {  	_ =	shalt  }
0x44: {  	_ =	shalt  }
0x45: {  	_ =	shalt  }
0x46: {  	_ =	shalt  }
0x47: {  	_ =	shalt  }
0x48: {  	_ =	shalt  }
0x49: {  	_ =	shalt  }
0x4a: {  	_ =	shalt  }
0x4b: {  	_ =	shalt  }
0x4c: {  	_ =	shalt  }
0x4d: {  	_ =	shalt  }
0x4e: {  	_ =	shalt  }
0x4f: {  	_ =	shalt  }
0x50: {  	_ =	shalt  }
0x51: {  	_ =	shalt  }
0x52: {  	_ =	shalt  }
0x53: {  	_ =	shalt  }
0x54: {  	_ =	shalt  }
0x55: {  	_ =	shalt  }
0x56: {  	_ =	shalt  }
0x57: {  	_ =	shalt  }
0x58: {  	_ =	shalt  }
0x59: {  	_ =	shalt  }
0x5a: {  	_ =	shalt  }
0x5b: {  	_ =	shalt  }
0x5c: {  	_ =	shalt  }
0x5d: {  	_ =	shalt  }
0x5e: {  	_ =	shalt  }
0x5f: {  	_ =	shalt  }
0x60: {  	_ =	shalt  }
0x61: {  	_ =	shalt  }
0x62: {  	_ =	shalt  }
0x63: {  	_ =	shalt  }
0x64: {  	_ =	shalt  }
0x65: {  	_ =	shalt  }
0x66: {  	_ =	shalt  }
0x67: {  	_ =	shalt  }
0x68: {  	_ =	shalt  }
0x69: {  	_ =	shalt  }
0x6a: {  	_ =	shalt  }
0x6b: {  	_ =	shalt  }
0x6c: {  	_ =	shalt  }
0x6d: {  	_ =	shalt  }
0x6e: {  	_ =	shalt  }
0x6f: {  	_ =	shalt  }
0x70: {  	_ =	shalt  }
0x71: {  	_ =	shalt  }
0x72: {  	_ =	shalt  }
0x73: {  	_ =	shalt  }
0x74: {  	_ =	shalt  }
0x75: {  	_ =	shalt  }
0x76: {  	_ =	shalt  }
0x77: {  	_ =	shalt  }
0x78: {  	_ =	shalt  }
0x79: {  	_ =	shalt  }
0x7a: {  	_ =	shalt  }
0x7b: {  	_ =	shalt  }
0x7c: {  	_ =	shalt  }
0x7d: {  	_ =	shalt  }
0x7e: {  	_ =	shalt  }
0x7f: {  	_ =	shalt  }
0x80: {  	_ =	shalt  }
0x81: {  	_ =	shalt  }
0x82: {  	_ =	shalt  }
0x83: {  	_ =	shalt  }
0x84: {  	_ =	shalt  }
0x85: {  	_ =	shalt  }
0x86: {  	_ =	shalt  }
0x87: {  	_ =	shalt  }
.Lfunc_end0:
.L_simem_size_0:
called_computation_lowered:
.L_overlay_start_0:
0x88: {  	s2 =	sld [smem:$0x3FD9]  }
0x89: {  	s3 =	sld [smem:$0x3FFE];
	_ =	sdelay $0x1  }
0x8a: {  	s1 =	srdreg.scid  }
0x8b: {  	s0 =	sand.u32 $0x1, s1  }
0x8c: {  	s17 =	sshll.u32 s0, $0xA;
	s2 =	sadd.s32 s3, s2  }
0x8d: {  	s2 =	sadd.s32 s2, s17  }
0x8e: {  	[smem:$0x3FC2] =	sst s2  }
0x8f: {  	_ = 	snop  }
0x90: {  	s2 =	sld [smem:$0x3FD0];
	(tm) =	ssettm $0x1  }
0x91: {  	s18 =	sld [smem:$0x3FFB];
	_ =	sdelay $0x3  }
0x92: {  	_ =	strace s18  }
0x93: {  	s3 =	sld [smem:$0x3FFC];
	_ =	sdelay $0x3  }
0x94: {  	_ =	strace s3  }
0x95: {  	s3 =	sld [smem:$0x3FFD];
	_ =	sdelay $0x3  }
0x96: {  	_ =	strace s3  }
0x97: {  	_ =	strace $0x8FFFFFFF  }
0x98: {  	s19 =	sld [smem:$0x3FDB];
	_ =	sdelay $0x1  }
0x99: {  	s4 =	simm.s32 $_scs_section_size  }
0x9a: {  	s5 =	simm.s32 $_size__tile_overlayer_lowered;
	s6 =	simm.s32 $_tile_overlayer_lowered  }
0x9b: {  	s22 =	simm.s32 $0x1BFF;
	s21 =	sshll.u32 s6, $0x1;
	s3 =	sadd.s32 s4, s19  }
0x9c: {  	s7 =	simm.s32 $0x0;
	s20 =	sshll.u32 s5, $0x1;
	s5 =	sadd.s32 s21, s3  }
0x9d: {  	[timem:s7], [sflag:s22] =	dma.local [hbm:s5], s20  }
0x9e: {  	_ =	swait.ge [sflag:s22], s20  }
0x9f: {  	s4 =	ssub.s32 $0x0, s20;
	[sflag:s22] =	ssyncset.done $0x0  }
0xa0: {  	[sflag:s22] =	ssyncadd.s32 s4;
	_ =	sdelay $0x1  }
0xa1: {  	s23 =	simm.s32 $0x1B8B  }
0xa2: {  	_ =	swait.ge [sflag:s23], $0x1  }
0xa3: {  	[sflag:s23] =	ssyncset.done $0x0  }
0xa4: {  	s25 =	simm.s32 $0x1B8E;
	s24 =	sld [smem:$0x3FFE];
	[sflag:s23] =	ssyncadd.s32 $0xFFFFFFFF  }
0xa5: {  	s26 =	simm.s32 $execute0_lowered;
	[smem:$0x3FD2] =	sst s25  }
0xa6: {  	s5 =	sshll.u32 s26, $0x1;
	_ =	strace $0x80000046;
	[dreg:$0x1] =	wrdreg $0xFFFFFFFF  }
0xa7: {  	s28 =	simm.s32 $_size_execute0_lowered;
	s3 =	sadd.s32 s3, s5;
	[dreg:$0x0] =	wrdreg $0x0  }
0xa8: {  	s5 =	sshll.u32 s28, $0x1;
	[dreg:$0x2] =	wrdreg s3  }
0xa9: {  	[dreg:$0x3] =	wrdreg s5  }
0xaa: {  	[dreg:$0x4] =	wrdreg $0xC0  }
0xab: {  	_ =	task [dreg:s7], $0x5FFFF  }
0xac: {  	[dreg:$0x1] =	wrdreg $0xFFFFFFFF  }
0xad: {  	[dreg:$0x0] =	wrdreg $0x60  }
0xae: {  	[dreg:$0x2] =	wrdreg s2  }
0xaf: {  	[dreg:$0x3] =	wrdreg s24  }
0xb0: {  	[dreg:$0x4] =	wrdreg $0x2BE80  }
0xb1: {  	[dreg:$0x5] =	wrdreg $0x9  }
0xb2: {  	_ =	task.clear_ibuf [dreg:s7], $0x6FFFF;
	_ =	strace $0x90000046  }
0xb3: {  	s29 =	simm.s32 $0x9;
	_ =	strace $0x80000048  }
0xb4: {  	_ =	swait.ge [sflag:s29], $0x1  }
0xb5: {  	[sflag:s29] =	ssyncadd.s32 $0xFFFFFFFF  }
0xb6: {  	_ =	strace $0x90000048  }
0xb7: {  	_ =	sfence  }
0xb8: {  	s30 =	sld [smem:$0x0];
	_ =	sdelay $0x2  }
0xb9: {  	s31 =	sshll.u32 s1, $0xD;
	s1 =	sshrl.u32 s1, $0x2  }
0xba: {  	s3 =	sand.u32 $0x4000, s31;
	s1 =	sadd.s32 s1, s30  }
0xbb: {  	s0 =	sor.u32 s3, s0;
	s1 =	sshll.u32 s1, $0x11  }
0xbc: {  	s0 =	sor.u32 s1, s0  }
0xbd: {  	s0 =	sadd.s32 $0x8F2B, s0  }
0xbe: {  	[sflag:s0] =	ssyncadd.remote.s32 $0x1  }
0xbf: {  	_ =	sfence.sel $0xFFFF  }
0xc0: {  	[dreg:$0x0] =	wrdreg $0xFFFFFFFF;
	(pc) =	sbr.abs _section_cstart, $3  }
0xc1: {  	[dreg:$0x1] =	wrdreg $0xFFFFFFFF  }
0xc2: {  	_ =	task.clear_ibuf [dreg:s7], $0x2FFFF;
	_ =	strace $0x9FFFFFFF  }
0xc3: {  	(tm) =	ssettm $0x7FFFFFFF  }
tec
execute0_lowered:
.L_overlay_start_1:
0x0: {  	(tag) =	ssettag $0x1  }
0x1: {  	s7 =	rddreg [dreg:$0x0]  }
0x2: {  	s5 =	rddreg [dreg:$0x1]  }
0x3: {  	s2 =	rddreg [dreg:$0x2]  }
0x4: {  	s0 =	rddreg [dreg:$0x3];
	s3 =	simm.s32 $0x0;
	s1 =	stileid.u32  }
0x5: {  	s4 =	srdreg.scid;
	s14 =	simm.s32 $0x1;
	s15 =	simm.s32 $0x10  }
0x6: {  	s16 =	simm.s32 $0x0;
	[smem:$0x7FF] =	sst s3;
	s6 =	smul.u32 $0x1400, s1  }
0x7: {  	s8 =	sand.u32 $0x1, s4;
	s9 =	smul.u32 $0x14000, s1;
	s4 =	sadd.s32 $0x5800, s5  }
0x8: {  	s31 =	sshll.u32 s1, $0x6;
	_ =	strace $0x80000047;
	s11 =	sshll.u32 s8, $0x6  }
0x9: {  	s29 =	sshll.u32 s8, $0x4;
	s8 =	ssub.s32 $0x2, s8;
	s10 =	sshrl.u32 s6, $0x3  }
0xa: {  	s9 =	sor.u32 s11, s9;
	s11 =	sor.u32 s1, s29;
	s30 =	sshrl.u32 s8, $0x1  }
0xb: {  	s13 =	sadd.s32 s6, s2;
	s6 =	sor.u32 $0x1C02, s31;
	s10 =	sadd.s32 s10, s5  }
0xc: {  	s9 =	sshrl.u32 s9, $0x3;
	s11 =	smul.u32 $0x500, s11;
	s12 =	ssub.s32 s8, s30  }
0xd: {  	s9 =	sadd.s32 s9, s5;
	s5 =	sadd.s32 $0x3000, s10;
	s10 =	sshrl.u32 s13, $0x3  }
0xe: {  	s13 =	simm.s32 $0x7D;
	s7 =	sadd.s32 s7, s11;
	s8 =	sadd.s32 $0x5A00, s9  }
0xf: {  	s9 =	smax.u32 s12, $0x1;
	s11 =	simm.s32 $0x2;
	s12 =	simm.s32 $0x2800  }
.LBB2_1:
0x10: {  	[spmem:s10], [sflag:s6] =	dma.local [hbm:s5], $0x280  }
0x11: {  	_ =	swait.ge [sflag:s11], $0x280  }
0x12: {  	[sflag:s11] =	ssyncset.done $0x0  }
0x13: {  	[sflag:s11] =	ssyncadd.s32 $0xFFFFFD80  }
0x14: {  	[tilespmem:s3], [sflag:$0x2] =	stream.linear.gather [hbm4b:s7+s3], $0x2800, $0x38;
	[tilespmem:$0x3FE8] =	vst v63  }
0x15: {  	_ =	swait.ge [sflag:s11], $0x2800  }
0x16: {  	[sflag:s11] =	ssyncset.done $0x0  }
0x17: {  	[sflag:s11] =	ssyncadd.s32 $0xFFFFD800  }
0x18: {  	[tilespmem:s12], [sflag:$0x2] =	stream.linear.gather [hbm4b:s4+s3], $0x3E8, $0x38;
	[tilespmem:$0x3FE8] =	vst v63  }
0x19: {  	_ =	swait.ge [sflag:s11], $0x3E8  }
0x1a: {  	[sflag:s11] =	ssyncset.done $0x0  }
0x1b: {  	[sflag:s11] =	ssyncadd.s32 $0xFFFFFC18  }
0x1c: {  	s17 =	simm.s32 $0x0;
	[bflag:$0x0] =	sbarrier.arrive $0xFFFF  }
.LBB2_2:
0x1d: {  	p0 =	sne.s32 s17, $0x9E00  }
.Ltmp0:
0x1e: {  	_ = 	snop;
	(pc) =	sbr.rel @p0 .LBB2_2-.Ltmp0, $3  }
0x1f: {  	_ =	sdelay $0x1  }
0x20: {  	s18 =	sshra.s32 s17, $0x2;
	s17 =	sadd.s32 $0x200, s17  }
0x21: {  	[spmem:s2] =	stream.indirect.scatter.add.f32 [tilespmem:s12], [sflag:$0x1], $0x8, s18, s13, $0xb8;
	[tilespmem:$0x3FE8] =	vst v63  }
0x22: {  	_ =	swait.ge [sflag:s14], $0x3E8  }
0x23: {  	s17 =	simm.s32 $0x4F;
	[sflag:s14] =	ssyncset.done $0x0  }
.LBB2_4:
0x24: {  	p0 =	sne.s32 s17, $0x1;
	s17 =	sadd.s32 $0xFFFFFFFF, s17;
	[sflag:s14] =	ssyncadd.s32 $0xFFFFFC18  }
.Ltmp1:
0x25: {  	(pc) =	sbr.rel @p0 .LBB2_4-.Ltmp1, $3  }
0x26: {  	_ =	sdelay $0x1  }
0x27: {  	_ =	swait.ge [sflag:s14], $0x3E8  }
0x28: {  	[sflag:s14] =	ssyncset.done $0x0  }
0x29: {  	s16 =	sadd.s32 $0x1, s16  }
0x2a: {  	[sflag:s14] =	ssyncadd.s32 $0xFFFFFC18;
	p0 =	sne.s32 s16, s9  }
.Ltmp2:
0x2b: {  	[bflag:$0x0] =	sbarrier.arrive $0xFFFF;
	(pc) =	sbr.rel @p0 .LBB2_1-.Ltmp2, $4  }
0x2c: {  	[hbm:s8@s15], [sflag:s6] =	dma.strided [spmem:s10@s14], $0x280, s14, $0x1   }
0x2d: {  	_ =	swait.ge [sflag:s11], $0x280  }
0x2e: {  	[sflag:s11] =	ssyncset.done $0x0  }
0x2f: {  	[sflag:s11] =	ssyncadd.s32 $0xFFFFFD80  }
0x30: {  	_ =	sfence.sel $0x180000  }
0x31: {  	[bflag:$0x0] =	sbarrier.arrive $0xFFFF  }
0x32: {  	p0 =	sne.s32 s1, $0x0;
	_ =	strace $0x90000047  }
0x33: {  	s0 =	sadd.s32 @!p0 $0x100000, s0;
	[bflag:$0x2] =	sbarrier.arrive $0xFFFF  }
0x34: {  	[sflag:s0] =	ssyncadd.tile.s32 @!p0 $0x1;
	_ =	shalt  }
.Lfunc_end2:
_tile_overlayer_lowered:
.L_overlay_start_2:
0x35: {  	(tag) =	ssettag $0x2  }
0x36: {  	s0 =	rddreg [dreg:$0x0];
	s2 =	stileid.u32  }
0x37: {  	s1 =	rddreg [dreg:$0x1];
	p0 =	sne.s32 s2, $0x0  }
0x38: {  	s3 =	rddreg [dreg:$0x2];
	[bflag:$0x3] =	sbarrier.arrive $0xFFFF;
	s2 =	simm.s32 @!p0 $0x1C02  }
0x39: {  	[timem:s3], [sflag:s2] =	dma.local @!p0 [hbm:s0], s1  }
0x3a: {  	s0 =	simm.s32 @!p0 $0x2  }
0x3b: {  	_ =	swait.ge @!p0 [sflag:s0], s1  }
0x3c: {  	s1 =	ssub.s32 @!p0 $0x0, s1;
	[sflag:s0] =	ssyncset.done @!p0 $0x0  }
0x3d: {  	[sflag:s0] =	ssyncadd.s32 @!p0 s1  }
0x3e: {  	[bflag:$0x3] =	sbarrier.arrive $0xFFFF  }
0x3f: {  	_ =	shalt  }

</sc_bundles>
